<compile_context>
chip_gen: v7x
topology: tpu7x:2x2x1
jax: 0.10.2.dev20260603
libtpu: 0.0.44.dev20260713+nightly
codegen_flags: <defaults>
</compile_context>

<pallas_src>
import functools

import jax
import jax.numpy as jnp
from jax import lax
from jax.experimental import pallas as pl
from jax.experimental.pallas import tpu as pltpu
from jax.experimental.pallas import tpu_sc as plsc

_CH = 128
_SPLIT = 1


def _vq_tc_body(scale, d, rb, zt_ref, wt_ref, idx_ref, loss_ref):
    pid = pl.program_id(0)
    wt = wt_ref[...]
    k = wt.shape[1]
    s = zt_ref.shape[-1]
    wsq = jnp.sum(wt * wt, axis=0)
    wsq_col = wsq.reshape(k, 1)
    row_f = lax.broadcasted_iota(jnp.int32, (_CH, s), 0).astype(jnp.float32)
    msum = jnp.zeros((), jnp.float32)
    for bi in range(rb):
        zt = zt_ref[bi]
        zsq = jnp.sum(zt * zt, axis=0)
        mm = lax.dot_general(wt, zt, (((0,), (0,)), ((), ())),
                             preferred_element_type=jnp.float32)
        dist = (zsq[None, :] + wsq_col) - 2.0 * mm
        val = dist[0:_CH, :]
        chk = jnp.zeros((_CH, s), jnp.float32)
        for j in range(1, k // _CH):
            dj = dist[j * _CH:(j + 1) * _CH, :]
            cond = dj < val
            val = jnp.minimum(val, dj)
            chk = jnp.where(cond, jnp.float32(j), chk)
        m = jnp.min(val, axis=0)
        g = chk * jnp.float32(_CH) + row_f
        idxf = jnp.min(jnp.where(val == m[None, :], g, jnp.float32(k)),
                       axis=0)
        idx_ref[pl.ds(bi * s, s)] = idxf.astype(jnp.int32)
        msum = msum + jnp.sum(m)

    @pl.when(pid == 0)
    def _init():
        loss_ref[...] = jnp.zeros((1, 1), jnp.float32)

    loss_ref[...] += msum.reshape(1, 1)

    @pl.when(pid == pl.num_programs(0) - 1)
    def _finish():
        loss_ref[...] *= scale


def _tc_half(zt, wt, off, nb, scale, rb=4):
    d, k = wt.shape
    s = zt.shape[-1]
    return pl.pallas_call(
        functools.partial(_vq_tc_body, scale, d, rb),
        grid=(nb // rb,),
        in_specs=[
            pl.BlockSpec((rb, d, s), lambda i, off=off: (i + off, 0, 0)),
            pl.BlockSpec((d, k), lambda i: (0, 0)),
        ],
        out_specs=[
            pl.BlockSpec((rb * s,), lambda i: (i,)),
            pl.BlockSpec((1, 1), lambda i: (0, 0)),
        ],
        out_shape=[
            jax.ShapeDtypeStruct((nb * s,), jnp.int32),
            jax.ShapeDtypeStruct((1, 1), jnp.float32),
        ],
    )(zt, wt)


def _sc_gather_t(wt, idx, nb, s):
    d, k = wt.shape
    hd = d // 2
    nt = nb * s
    info = plsc.get_sparse_core_info()
    nl = info.num_lanes
    nw = info.num_cores * info.num_subcores
    nrng = nw // 2
    tpw = nt // nrng
    mesh = plsc.VectorSubcoreMesh(core_axis_name="c", subcore_axis_name="s")

    @functools.partial(
        pl.kernel, mesh=mesh,
        out_type=jax.ShapeDtypeStruct((nb, d, s), jnp.float32),
        compiler_params=pltpu.CompilerParams(use_tc_tiling_on_sc=True,
                                             needs_layout_passes=False),
        scratch_types=[
            pltpu.VMEM((tpw,), jnp.int32),
            pltpu.VMEM((hd, k), jnp.float32),
            pltpu.VMEM((hd, tpw), jnp.float32),
        ],
    )
    def gk(wt_hbm, idx_hbm, out_hbm, idx_v, wt_v, out_v):
        wid = lax.axis_index("s") * info.num_cores + lax.axis_index("c")
        h = wid % 2
        rng = wid // 2
        tpb = tpw // s
        bb0 = rng * tpb
        pltpu.sync_copy(wt_hbm.at[pl.ds(h * hd, hd)], wt_v)
        pltpu.sync_copy(idx_hbm.at[pl.ds(rng * tpw, tpw)], idx_v)
        rows = [jnp.full((nl,), dd, jnp.int32) for dd in range(hd)]

        @plsc.parallel_loop(0, tpw // nl, unroll=2)
        def _gather_group(gg):
            toks = idx_v[pl.ds(gg * nl, nl)]
            for dd in range(hd):
                out_v[dd, pl.ds(gg * nl, nl)] = plsc.load_gather(
                    wt_v, [rows[dd], toks])

        for b2 in range(tpb):
            pltpu.sync_copy(out_v.at[pl.ds(0, hd), pl.ds(b2 * s, s)],
                            out_hbm.at[bb0 + b2, pl.ds(h * hd, hd)])

    return gk(wt, idx)


def kernel(z, W):
    b, s, d = z.shape
    k = W.shape[0]
    zt = jnp.transpose(z, (0, 2, 1))
    wt = jnp.transpose(W, (1, 0))

    nh = b // _SPLIT
    scale = 1.25 / (b * s * d)
    idx_parts, loss_parts, qt_parts = [], [], []
    for p in range(_SPLIT):
        idx_p, lacc_p = _tc_half(zt, wt, p * nh, nh, scale)
        qt_parts.append(_sc_gather_t(wt, idx_p, nh, s))
        idx_parts.append(idx_p)
        loss_parts.append(lacc_p[0, 0])

    qt = jnp.concatenate(qt_parts, axis=0)
    idx = jnp.concatenate(idx_parts).reshape(b, s)
    loss = loss_parts[0]
    for lp in loss_parts[1:]:
        loss = loss + lp
    return jnp.transpose(qt, (0, 2, 1)), loss, idx

# --- scband reference (transcript-rebuilt; emitter-appended) ---
"""Pipeline reference for scband-vector-quantizer-7447473291875 (READ-ONLY COPY).

The authoritative reference and input builder live on the scoring server;
editing this copy changes nothing except your own understanding.
"""

import jax, jax.numpy as jnp
import numpy as np

CODEBOOK_SIZE = 1024
EMBEDDING_DIM = 64
COMMITMENT_COST = 0.25

def setup_inputs(seed: int = 0) -> dict:
    key = jax.random.key(seed)
    k1, k2 = jax.random.split(key)
    z = jax.random.normal(k1, (32, 1024, EMBEDDING_DIM), dtype=jnp.float32)
    # embedding weight initialized uniform(-1/K, 1/K) like the torch module
    W = jax.random.uniform(k2, (CODEBOOK_SIZE, EMBEDDING_DIM), minval=-1.0 / CODEBOOK_SIZE, maxval=1.0 / CODEBOOK_SIZE, dtype=jnp.float32)
    return {"z": z, "W": W}

def reference(z, W):
    # z: (B, S, D) continuous features; W: (K, D) codebook
    D = z.shape[-1]
    z_flat = z.reshape(-1, D)
    # squared L2 distances to every code: ||z||^2 + ||w||^2 - 2 z.w
    distances = (jnp.sum(z_flat ** 2, axis=1, keepdims=True)
                 + jnp.sum(W ** 2, axis=1)
                 - 2.0 * jnp.matmul(z_flat, W.T))
    indices = jnp.argmin(distances, axis=1)
    indices = indices.reshape(z.shape[:-1])
    quantized = jnp.take(W, indices, axis=0)  # embedding lookup
    # training-mode losses (EMA buffer updates are pure state mutation and do
    # not affect the returned tensors, since quantized uses the pre-update weights)
    commitment_loss = COMMITMENT_COST * jnp.mean((z - jax.lax.stop_gradient(quantized)) ** 2)
    codebook_loss = jnp.mean((quantized - jax.lax.stop_gradient(z)) ** 2)
    loss = commitment_loss + codebook_loss
    # straight-through estimator
    quantized_st = z + jax.lax.stop_gradient(quantized - z)
    return quantized_st, loss, indices

if __name__ == "__main__":
    import jax
    _d = setup_inputs()
    print(jax.jit(kernel)(*tuple(_d.values())))

</pallas_src>

<mosaic_0001>
#map = affine_map<(d0, d1) -> (0, 0)>
#map1 = affine_map<(d0, d1) -> (0)>
#map2 = affine_map<(d0, d1) -> (0, 0, 0)>
module attributes {stable_mosaic.version = 14 : i64} {
  func.func @gk(%arg0: i32, %arg1: i32, %arg2: memref<64x1024xf32, #tpu.memory_space<hbm>>, %arg3: memref<32768xi32, #tpu.memory_space<hbm>>, %arg4: memref<32x64x1024xf32, #tpu.memory_space<hbm>>, %arg5: memref<2048xi32, #tpu.memory_space<vmem>>, %arg6: memref<32x1024xf32, #tpu.memory_space<vmem>>, %arg7: memref<32x2048xf32, #tpu.memory_space<vmem>>) attributes {dimension_semantics = [#tpu.dimension_semantics<core_parallel>, #tpu.dimension_semantics<subcore_parallel>], iteration_bounds = array<i64: 2, 16>, scalar_prefetch = 0 : i64, scratch_operands = 3 : i64, tpu.core_type = #tpu.core_type<sc_vector_subcore>, window_params = [{transform_indices = #map}, {transform_indices = #map1}, {transform_indices = #map2}]} {
    %mul3A = arith.constant 2 : i32
    %mul3A_0 = arith.muli %arg1, %mul3A : i32
    %add3A = arith.addi %mul3A_0, %arg0 : i32
    %jit3A = arith.constant 2 : i32
    %eq3A = arith.constant 0 : i32
    %eq3A_1 = arith.cmpi eq, %jit3A, %eq3A : i32
    %jit3A_2 = arith.constant 1 : i32
    %select_n3A = arith.select %eq3A_1, %jit3A_2, %jit3A : i32
    %rem3A = arith.remsi %add3A, %select_n3A : i32
    %ne3A = arith.constant 0 : i32
    %ne3A_3 = arith.cmpi ne, %rem3A, %ne3A : i32
    %lt3A = arith.constant 0 : i32
    %lt3A_4 = arith.cmpi slt, %rem3A, %lt3A : i32
    %lt3A_5 = arith.constant 0 : i32
    %lt3A_6 = arith.cmpi slt, %select_n3A, %lt3A_5 : i32
    %ne3A_7 = arith.xori %lt3A_4, %lt3A_6 : i1
    %and3A = arith.andi %ne3A_7, %ne3A_3 : i1
    %add3A_8 = arith.addi %rem3A, %select_n3A : i32
    %select_n3A_9 = arith.select %and3A, %add3A_8, %rem3A : i32
    %jit3A_10 = arith.constant 2 : i32
    %div3A = arith.divsi %add3A, %jit3A_10 : i32
    %sign3A = arith.constant 0 : i32
    %sign3A_11 = arith.cmpi sgt, %add3A, %sign3A : i32
    %sign3A_12 = arith.extui %sign3A_11 : i1 to i32
    %sign3A_13 = arith.constant 0 : i32
    %sign3A_14 = arith.cmpi slt, %add3A, %sign3A_13 : i32
    %sign3A_15 = arith.extui %sign3A_14 : i1 to i32
    %sign3A_16 = arith.subi %sign3A_12, %sign3A_15 : i32
    %sign3A_17 = arith.constant 0 : i32
    %sign3A_18 = arith.cmpi sgt, %jit3A_10, %sign3A_17 : i32
    %sign3A_19 = arith.extui %sign3A_18 : i1 to i32
    %sign3A_20 = arith.constant 0 : i32
    %sign3A_21 = arith.cmpi slt, %jit3A_10, %sign3A_20 : i32
    %sign3A_22 = arith.extui %sign3A_21 : i1 to i32
    %sign3A_23 = arith.subi %sign3A_19, %sign3A_22 : i32
    %ne3A_24 = arith.cmpi ne, %sign3A_16, %sign3A_23 : i32
    %rem3A_25 = arith.remsi %add3A, %jit3A_10 : i32
    %ne3A_26 = arith.constant 0 : i32
    %ne3A_27 = arith.cmpi ne, %rem3A_25, %ne3A_26 : i32
    %and3A_28 = arith.andi %ne3A_24, %ne3A_27 : i1
    %sub3A = arith.constant 1 : i32
    %sub3A_29 = arith.subi %div3A, %sub3A : i32
    %select_n3A_30 = arith.select %and3A_28, %sub3A_29, %div3A : i32
    %mul3A_31 = arith.constant 2 : i32
    %mul3A_32 = arith.muli %select_n3A_30, %mul3A_31 : i32
    %mul3A_33 = arith.constant 32 : i32
    %mul3A_34 = arith.muli %select_n3A_9, %mul3A_33 : i32
    "tpu.region"() ({
      %run_scoped3A = tpu.sem_alloc : memref<!tpu.dma_semaphore, #tpu.memory_space<semaphore_mem>>
      %dma_start3A = arith.constant 0 : i32
      %dma_start3A_110 = tpu.memref_slice %arg2[%mul3A_34, %dma_start3A] : memref<64x1024xf32, #tpu.memory_space<hbm>> -> memref<32x1024xf32, #tpu.memory_space<hbm>>
      %dma_start3A_111 = arith.constant 0 : i32
      %dma_start3A_112 = tpu.memref_slice %arg2[%mul3A_34, %dma_start3A_111] : memref<64x1024xf32, #tpu.memory_space<hbm>> -> memref<32x1024xf32, #tpu.memory_space<hbm>>
      tpu.enqueue_dma source(%dma_start3A_112 : memref<32x1024xf32, #tpu.memory_space<hbm>>) target(%arg6 : memref<32x1024xf32, #tpu.memory_space<vmem>>) target_semaphore(%run_scoped3A : memref<!tpu.dma_semaphore, #tpu.memory_space<semaphore_mem>>)
      %dma_wait3A = arith.constant 0 : i32
      %dma_wait3A_113 = tpu.memref_slice %arg2[%mul3A_34, %dma_wait3A] : memref<64x1024xf32, #tpu.memory_space<hbm>> -> memref<32x1024xf32, #tpu.memory_space<hbm>>
      %dma_wait3A_114 = arith.constant 0 : i32
      %dma_wait3A_115 = tpu.memref_slice %arg2[%mul3A_34, %dma_wait3A_114] : memref<64x1024xf32, #tpu.memory_space<hbm>> -> memref<32x1024xf32, #tpu.memory_space<hbm>>
      tpu.wait_dma2 semaphore(%run_scoped3A : memref<!tpu.dma_semaphore, #tpu.memory_space<semaphore_mem>>) src(%dma_wait3A_115 : memref<32x1024xf32, #tpu.memory_space<hbm>>) dst(%arg6 : memref<32x1024xf32, #tpu.memory_space<vmem>>)
      tpu.yield
    }) : () -> ()
    %mul3A_35 = arith.constant 2048 : i32
    %mul3A_36 = arith.muli %select_n3A_30, %mul3A_35 : i32
    "tpu.region"() ({
      %run_scoped3A = tpu.sem_alloc : memref<!tpu.dma_semaphore, #tpu.memory_space<semaphore_mem>>
      %dma_start3A = tpu.memref_slice %arg3[%mul3A_36] : memref<32768xi32, #tpu.memory_space<hbm>> -> memref<2048xi32, #tpu.memory_space<hbm>>
      %dma_start3A_110 = tpu.memref_slice %arg3[%mul3A_36] : memref<32768xi32, #tpu.memory_space<hbm>> -> memref<2048xi32, #tpu.memory_space<hbm>>
      tpu.enqueue_dma source(%dma_start3A_110 : memref<2048xi32, #tpu.memory_space<hbm>>) target(%arg5 : memref<2048xi32, #tpu.memory_space<vmem>>) target_semaphore(%run_scoped3A : memref<!tpu.dma_semaphore, #tpu.memory_space<semaphore_mem>>)
      %dma_wait3A = tpu.memref_slice %arg3[%mul3A_36] : memref<32768xi32, #tpu.memory_space<hbm>> -> memref<2048xi32, #tpu.memory_space<hbm>>
      %dma_wait3A_111 = tpu.memref_slice %arg3[%mul3A_36] : memref<32768xi32, #tpu.memory_space<hbm>> -> memref<2048xi32, #tpu.memory_space<hbm>>
      tpu.wait_dma2 semaphore(%run_scoped3A : memref<!tpu.dma_semaphore, #tpu.memory_space<semaphore_mem>>) src(%dma_wait3A_111 : memref<2048xi32, #tpu.memory_space<hbm>>) dst(%arg5 : memref<2048xi32, #tpu.memory_space<vmem>>)
      tpu.yield
    }) : () -> ()
    %broadcast_in_dim3A = arith.constant 0 : i32
    %broadcast_in_dim3A_37 = vector.broadcast %broadcast_in_dim3A : i32 to vector<16xi32>
    %broadcast_in_dim3A_38 = arith.constant 1 : i32
    %broadcast_in_dim3A_39 = vector.broadcast %broadcast_in_dim3A_38 : i32 to vector<16xi32>
    %broadcast_in_dim3A_40 = arith.constant 2 : i32
    %broadcast_in_dim3A_41 = vector.broadcast %broadcast_in_dim3A_40 : i32 to vector<16xi32>
    %broadcast_in_dim3A_42 = arith.constant 3 : i32
    %broadcast_in_dim3A_43 = vector.broadcast %broadcast_in_dim3A_42 : i32 to vector<16xi32>
    %broadcast_in_dim3A_44 = arith.constant 4 : i32
    %broadcast_in_dim3A_45 = vector.broadcast %broadcast_in_dim3A_44 : i32 to vector<16xi32>
    %broadcast_in_dim3A_46 = arith.constant 5 : i32
    %broadcast_in_dim3A_47 = vector.broadcast %broadcast_in_dim3A_46 : i32 to vector<16xi32>
    %broadcast_in_dim3A_48 = arith.constant 6 : i32
    %broadcast_in_dim3A_49 = vector.broadcast %broadcast_in_dim3A_48 : i32 to vector<16xi32>
    %broadcast_in_dim3A_50 = arith.constant 7 : i32
    %broadcast_in_dim3A_51 = vector.broadcast %broadcast_in_dim3A_50 : i32 to vector<16xi32>
    %broadcast_in_dim3A_52 = arith.constant 8 : i32
    %broadcast_in_dim3A_53 = vector.broadcast %broadcast_in_dim3A_52 : i32 to vector<16xi32>
    %broadcast_in_dim3A_54 = arith.constant 9 : i32
    %broadcast_in_dim3A_55 = vector.broadcast %broadcast_in_dim3A_54 : i32 to vector<16xi32>
    %broadcast_in_dim3A_56 = arith.constant 10 : i32
    %broadcast_in_dim3A_57 = vector.broadcast %broadcast_in_dim3A_56 : i32 to vector<16xi32>
    %broadcast_in_dim3A_58 = arith.constant 11 : i32
    %broadcast_in_dim3A_59 = vector.broadcast %broadcast_in_dim3A_58 : i32 to vector<16xi32>
    %broadcast_in_dim3A_60 = arith.constant 12 : i32
    %broadcast_in_dim3A_61 = vector.broadcast %broadcast_in_dim3A_60 : i32 to vector<16xi32>
    %broadcast_in_dim3A_62 = arith.constant 13 : i32
    %broadcast_in_dim3A_63 = vector.broadcast %broadcast_in_dim3A_62 : i32 to vector<16xi32>
    %broadcast_in_dim3A_64 = arith.constant 14 : i32
    %broadcast_in_dim3A_65 = vector.broadcast %broadcast_in_dim3A_64 : i32 to vector<16xi32>
    %broadcast_in_dim3A_66 = arith.constant 15 : i32
    %broadcast_in_dim3A_67 = vector.broadcast %broadcast_in_dim3A_66 : i32 to vector<16xi32>
    %broadcast_in_dim3A_68 = arith.constant 16 : i32
    %broadcast_in_dim3A_69 = vector.broadcast %broadcast_in_dim3A_68 : i32 to vector<16xi32>
    %broadcast_in_dim3A_70 = arith.constant 17 : i32
    %broadcast_in_dim3A_71 = vector.broadcast %broadcast_in_dim3A_70 : i32 to vector<16xi32>
    %broadcast_in_dim3A_72 = arith.constant 18 : i32
    %broadcast_in_dim3A_73 = vector.broadcast %broadcast_in_dim3A_72 : i32 to vector<16xi32>
    %broadcast_in_dim3A_74 = arith.constant 19 : i32
    %broadcast_in_dim3A_75 = vector.broadcast %broadcast_in_dim3A_74 : i32 to vector<16xi32>
    %broadcast_in_dim3A_76 = arith.constant 20 : i32
    %broadcast_in_dim3A_77 = vector.broadcast %broadcast_in_dim3A_76 : i32 to vector<16xi32>
    %broadcast_in_dim3A_78 = arith.constant 21 : i32
    %broadcast_in_dim3A_79 = vector.broadcast %broadcast_in_dim3A_78 : i32 to vector<16xi32>
    %broadcast_in_dim3A_80 = arith.constant 22 : i32
    %broadcast_in_dim3A_81 = vector.broadcast %broadcast_in_dim3A_80 : i32 to vector<16xi32>
    %broadcast_in_dim3A_82 = arith.constant 23 : i32
    %broadcast_in_dim3A_83 = vector.broadcast %broadcast_in_dim3A_82 : i32 to vector<16xi32>
    %broadcast_in_dim3A_84 = arith.constant 24 : i32
    %broadcast_in_dim3A_85 = vector.broadcast %broadcast_in_dim3A_84 : i32 to vector<16xi32>
    %broadcast_in_dim3A_86 = arith.constant 25 : i32
    %broadcast_in_dim3A_87 = vector.broadcast %broadcast_in_dim3A_86 : i32 to vector<16xi32>
    %broadcast_in_dim3A_88 = arith.constant 26 : i32
    %broadcast_in_dim3A_89 = vector.broadcast %broadcast_in_dim3A_88 : i32 to vector<16xi32>
    %broadcast_in_dim3A_90 = arith.constant 27 : i32
    %broadcast_in_dim3A_91 = vector.broadcast %broadcast_in_dim3A_90 : i32 to vector<16xi32>
    %broadcast_in_dim3A_92 = arith.constant 28 : i32
    %broadcast_in_dim3A_93 = vector.broadcast %broadcast_in_dim3A_92 : i32 to vector<16xi32>
    %broadcast_in_dim3A_94 = arith.constant 29 : i32
    %broadcast_in_dim3A_95 = vector.broadcast %broadcast_in_dim3A_94 : i32 to vector<16xi32>
    %broadcast_in_dim3A_96 = arith.constant 30 : i32
    %broadcast_in_dim3A_97 = vector.broadcast %broadcast_in_dim3A_96 : i32 to vector<16xi32>
    %broadcast_in_dim3A_98 = arith.constant 31 : i32
    %broadcast_in_dim3A_99 = vector.broadcast %broadcast_in_dim3A_98 : i32 to vector<16xi32>
    %parallel_loop3A = arith.constant 0 : i32
    %parallel_loop3A_100 = arith.constant 128 : i32
    %parallel_loop3A_101 = arith.constant 1 : i32
    scf.for %parallel_loop3A_110 = %parallel_loop3A to %parallel_loop3A_100 step %parallel_loop3A_101  : i32 {
      %parallel_loop3A_111 = arith.constant 16 : i32
      %parallel_loop3A_112 = arith.muli %parallel_loop3A_110, %parallel_loop3A_111 : i32
      %parallel_loop3A_113 = arith.index_cast %parallel_loop3A_112 : i32 to index
      %parallel_loop3A_114 = tpu.vector_load %arg5[%parallel_loop3A_113] {strides = array<i32>} : memref<2048xi32, #tpu.memory_space<vmem>>, vector<16xi32>,
      %parallel_loop3A_115 = tpu.vector_load_idx %arg6[%broadcast_in_dim3A_37, %parallel_loop3A_114] : memref<32x1024xf32, #tpu.memory_space<vmem>>[vector<16xi32>, vector<16xi32>], vector<16xf32>,
      %parallel_loop3A_116 = arith.constant 16 : i32
      %parallel_loop3A_117 = arith.muli %parallel_loop3A_110, %parallel_loop3A_116 : i32
      %parallel_loop3A_118 = arith.constant 0 : i32
      %parallel_loop3A_119 = arith.index_cast %parallel_loop3A_118 : i32 to index
      %parallel_loop3A_120 = arith.index_cast %parallel_loop3A_117 : i32 to index
      %parallel_loop3A_121 = tpu.vector_load %arg7[%parallel_loop3A_119, %parallel_loop3A_120] {strides = array<i32>} : memref<32x2048xf32, #tpu.memory_space<vmem>>, vector<16xf32>,
      tpu.vector_store %arg7[%parallel_loop3A_119, %parallel_loop3A_120], %parallel_loop3A_115 {strides = array<i32>} : memref<32x2048xf32, #tpu.memory_space<vmem>>, vector<16xf32>,
      %parallel_loop3A_122 = tpu.vector_load_idx %arg6[%broadcast_in_dim3A_39, %parallel_loop3A_114] : memref<32x1024xf32, #tpu.memory_space<vmem>>[vector<16xi32>, vector<16xi32>], vector<16xf32>,
      %parallel_loop3A_123 = arith.constant 16 : i32
      %parallel_loop3A_124 = arith.muli %parallel_loop3A_110, %parallel_loop3A_123 : i32
      %parallel_loop3A_125 = arith.constant 1 : i32
      %parallel_loop3A_126 = arith.index_cast %parallel_loop3A_125 : i32 to index
      %parallel_loop3A_127 = arith.index_cast %parallel_loop3A_124 : i32 to index
      %parallel_loop3A_128 = tpu.vector_load %arg7[%parallel_loop3A_126, %parallel_loop3A_127] {strides = array<i32>} : memref<32x2048xf32, #tpu.memory_space<vmem>>, vector<16xf32>,
      tpu.vector_store %arg7[%parallel_loop3A_126, %parallel_loop3A_127], %parallel_loop3A_122 {strides = array<i32>} : memref<32x2048xf32, #tpu.memory_space<vmem>>, vector<16xf32>,
      %parallel_loop3A_129 = tpu.vector_load_idx %arg6[%broadcast_in_dim3A_41, %parallel_loop3A_114] : memref<32x1024xf32, #tpu.memory_space<vmem>>[vector<16xi32>, vector<16xi32>], vector<16xf32>,
      %parallel_loop3A_130 = arith.constant 16 : i32
      %parallel_loop3A_131 = arith.muli %parallel_loop3A_110, %parallel_loop3A_130 : i32
      %parallel_loop3A_132 = arith.constant 2 : i32
      %parallel_loop3A_133 = arith.index_cast %parallel_loop3A_132 : i32 to index
      %parallel_loop3A_134 = arith.index_cast %parallel_loop3A_131 : i32 to index
      %parallel_loop3A_135 = tpu.vector_load %arg7[%parallel_loop3A_133, %parallel_loop3A_134] {strides = array<i32>} : memref<32x2048xf32, #tpu.memory_space<vmem>>, vector<16xf32>,
      tpu.vector_store %arg7[%parallel_loop3A_133, %parallel_loop3A_134], %parallel_loop3A_129 {strides = array<i32>} : memref<32x2048xf32, #tpu.memory_space<vmem>>, vector<16xf32>,
      %parallel_loop3A_136 = tpu.vector_load_idx %arg6[%broadcast_in_dim3A_43, %parallel_loop3A_114] : memref<32x1024xf32, #tpu.memory_space<vmem>>[vector<16xi32>, vector<16xi32>], vector<16xf32>,
      %parallel_loop3A_137 = arith.constant 16 : i32
      %parallel_loop3A_138 = arith.muli %parallel_loop3A_110, %parallel_loop3A_137 : i32
      %parallel_loop3A_139 = arith.constant 3 : i32
      %parallel_loop3A_140 = arith.index_cast %parallel_loop3A_139 : i32 to index
      %parallel_loop3A_141 = arith.index_cast %parallel_loop3A_138 : i32 to index
      %parallel_loop3A_142 = tpu.vector_load %arg7[%parallel_loop3A_140, %parallel_loop3A_141] {strides = array<i32>} : memref<32x2048xf32, #tpu.memory_space<vmem>>, vector<16xf32>,
      tpu.vector_store %arg7[%parallel_loop3A_140, %parallel_loop3A_141], %parallel_loop3A_136 {strides = array<i32>} : memref<32x2048xf32, #tpu.memory_space<vmem>>, vector<16xf32>,
      %parallel_loop3A_143 = tpu.vector_load_idx %arg6[%broadcast_in_dim3A_45, %parallel_loop3A_114] : memref<32x1024xf32, #tpu.memory_space<vmem>>[vector<16xi32>, vector<16xi32>], vector<16xf32>,
      %parallel_loop3A_144 = arith.constant 16 : i32
      %parallel_loop3A_145 = arith.muli %parallel_loop3A_110, %parallel_loop3A_144 : i32
      %parallel_loop3A_146 = arith.constant 4 : i32
      %parallel_loop3A_147 = arith.index_cast %parallel_loop3A_146 : i32 to index
      %parallel_loop3A_148 = arith.index_cast %parallel_loop3A_145 : i32 to index
      %parallel_loop3A_149 = tpu.vector_load %arg7[%parallel_loop3A_147, %parallel_loop3A_148] {strides = array<i32>} : memref<32x2048xf32, #tpu.memory_space<vmem>>, vector<16xf32>,
      tpu.vector_store %arg7[%parallel_loop3A_147, %parallel_loop3A_148], %parallel_loop3A_143 {strides = array<i32>} : memref<32x2048xf32, #tpu.memory_space<vmem>>, vector<16xf32>,
      %parallel_loop3A_150 = tpu.vector_load_idx %arg6[%broadcast_in_dim3A_47, %parallel_loop3A_114] : memref<32x1024xf32, #tpu.memory_space<vmem>>[vector<16xi32>, vector<16xi32>], vector<16xf32>,
      %parallel_loop3A_151 = arith.constant 16 : i32
      %parallel_loop3A_152 = arith.muli %parallel_loop3A_110, %parallel_loop3A_151 : i32
      %parallel_loop3A_153 = arith.constant 5 : i32
      %parallel_loop3A_154 = arith.index_cast %parallel_loop3A_153 : i32 to index
      %parallel_loop3A_155 = arith.index_cast %parallel_loop3A_152 : i32 to index
      %parallel_loop3A_156 = tpu.vector_load %arg7[%parallel_loop3A_154, %parallel_loop3A_155] {strides = array<i32>} : memref<32x2048xf32, #tpu.memory_space<vmem>>, vector<16xf32>,
      tpu.vector_store %arg7[%parallel_loop3A_154, %parallel_loop3A_155], %parallel_loop3A_150 {strides = array<i32>} : memref<32x2048xf32, #tpu.memory_space<vmem>>, vector<16xf32>,
      %parallel_loop3A_157 = tpu.vector_load_idx %arg6[%broadcast_in_dim3A_49, %parallel_loop3A_114] : memref<32x1024xf32, #tpu.memory_space<vmem>>[vector<16xi32>, vector<16xi32>], vector<16xf32>,
      %parallel_loop3A_158 = arith.constant 16 : i32
      %parallel_loop3A_159 = arith.muli %parallel_loop3A_110, %parallel_loop3A_158 : i32
      %parallel_loop3A_160 = arith.constant 6 : i32
      %parallel_loop3A_161 = arith.index_cast %parallel_loop3A_160 : i32 to index
      %parallel_loop3A_162 = arith.index_cast %parallel_loop3A_159 : i32 to index
      %parallel_loop3A_163 = tpu.vector_load %arg7[%parallel_loop3A_161, %parallel_loop3A_162] {strides = array<i32>} : memref<32x2048xf32, #tpu.memory_space<vmem>>, vector<16xf32>,
      tpu.vector_store %arg7[%parallel_loop3A_161, %parallel_loop3A_162], %parallel_loop3A_157 {strides = array<i32>} : memref<32x2048xf32, #tpu.memory_space<vmem>>, vector<16xf32>,
      %parallel_loop3A_164 = tpu.vector_load_idx %arg6[%broadcast_in_dim3A_51, %parallel_loop3A_114] : memref<32x1024xf32, #tpu.memory_space<vmem>>[vector<16xi32>, vector<16xi32>], vector<16xf32>,
      %parallel_loop3A_165 = arith.constant 16 : i32
      %parallel_loop3A_166 = arith.muli %parallel_loop3A_110, %parallel_loop3A_165 : i32
      %parallel_loop3A_167 = arith.constant 7 : i32
      %parallel_loop3A_168 = arith.index_cast %parallel_loop3A_167 : i32 to index
      %parallel_loop3A_169 = arith.index_cast %parallel_loop3A_166 : i32 to index
      %parallel_loop3A_170 = tpu.vector_load %arg7[%parallel_loop3A_168, %parallel_loop3A_169] {strides = array<i32>} : memref<32x2048xf32, #tpu.memory_space<vmem>>, vector<16xf32>,
      tpu.vector_store %arg7[%parallel_loop3A_168, %parallel_loop3A_169], %parallel_loop3A_164 {strides = array<i32>} : memref<32x2048xf32, #tpu.memory_space<vmem>>, vector<16xf32>,
      %parallel_loop3A_171 = tpu.vector_load_idx %arg6[%broadcast_in_dim3A_53, %parallel_loop3A_114] : memref<32x1024xf32, #tpu.memory_space<vmem>>[vector<16xi32>, vector<16xi32>], vector<16xf32>,
      %parallel_loop3A_172 = arith.constant 16 : i32
      %parallel_loop3A_173 = arith.muli %parallel_loop3A_110, %parallel_loop3A_172 : i32
      %parallel_loop3A_174 = arith.constant 8 : i32
      %parallel_loop3A_175 = arith.index_cast %parallel_loop3A_174 : i32 to index
      %parallel_loop3A_176 = arith.index_cast %parallel_loop3A_173 : i32 to index
      %parallel_loop3A_177 = tpu.vector_load %arg7[%parallel_loop3A_175, %parallel_loop3A_176] {strides = array<i32>} : memref<32x2048xf32, #tpu.memory_space<vmem>>, vector<16xf32>,
      tpu.vector_store %arg7[%parallel_loop3A_175, %parallel_loop3A_176], %parallel_loop3A_171 {strides = array<i32>} : memref<32x2048xf32, #tpu.memory_space<vmem>>, vector<16xf32>,
      %parallel_loop3A_178 = tpu.vector_load_idx %arg6[%broadcast_in_dim3A_55, %parallel_loop3A_114] : memref<32x1024xf32, #tpu.memory_space<vmem>>[vector<16xi32>, vector<16xi32>], vector<16xf32>,
      %parallel_loop3A_179 = arith.constant 16 : i32
      %parallel_loop3A_180 = arith.muli %parallel_loop3A_110, %parallel_loop3A_179 : i32
      %parallel_loop3A_181 = arith.constant 9 : i32
      %parallel_loop3A_182 = arith.index_cast %parallel_loop3A_181 : i32 to index
      %parallel_loop3A_183 = arith.index_cast %parallel_loop3A_180 : i32 to index
      %parallel_loop3A_184 = tpu.vector_load %arg7[%parallel_loop3A_182, %parallel_loop3A_183] {strides = array<i32>} : memref<32x2048xf32, #tpu.memory_space<vmem>>, vector<16xf32>,
      tpu.vector_store %arg7[%parallel_loop3A_182, %parallel_loop3A_183], %parallel_loop3A_178 {strides = array<i32>} : memref<32x2048xf32, #tpu.memory_space<vmem>>, vector<16xf32>,
      %parallel_loop3A_185 = tpu.vector_load_idx %arg6[%broadcast_in_dim3A_57, %parallel_loop3A_114] : memref<32x1024xf32, #tpu.memory_space<vmem>>[vector<16xi32>, vector<16xi32>], vector<16xf32>,
      %parallel_loop3A_186 = arith.constant 16 : i32
      %parallel_loop3A_187 = arith.muli %parallel_loop3A_110, %parallel_loop3A_186 : i32
      %parallel_loop3A_188 = arith.constant 10 : i32
      %parallel_loop3A_189 = arith.index_cast %parallel_loop3A_188 : i32 to index
      %parallel_loop3A_190 = arith.index_cast %parallel_loop3A_187 : i32 to index
      %parallel_loop3A_191 = tpu.vector_load %arg7[%parallel_loop3A_189, %parallel_loop3A_190] {strides = array<i32>} : memref<32x2048xf32, #tpu.memory_space<vmem>>, vector<16xf32>,
      tpu.vector_store %arg7[%parallel_loop3A_189, %parallel_loop3A_190], %parallel_loop3A_185 {strides = array<i32>} : memref<32x2048xf32, #tpu.memory_space<vmem>>, vector<16xf32>,
      %parallel_loop3A_192 = tpu.vector_load_idx %arg6[%broadcast_in_dim3A_59, %parallel_loop3A_114] : memref<32x1024xf32, #tpu.memory_space<vmem>>[vector<16xi32>, vector<16xi32>], vector<16xf32>,
      %parallel_loop3A_193 = arith.constant 16 : i32
      %parallel_loop3A_194 = arith.muli %parallel_loop3A_110, %parallel_loop3A_193 : i32
      %parallel_loop3A_195 = arith.constant 11 : i32
      %parallel_loop3A_196 = arith.index_cast %parallel_loop3A_195 : i32 to index
      %parallel_loop3A_197 = arith.index_cast %parallel_loop3A_194 : i32 to index
      %parallel_loop3A_198 = tpu.vector_load %arg7[%parallel_loop3A_196, %parallel_loop3A_197] {strides = array<i32>} : memref<32x2048xf32, #tpu.memory_space<vmem>>, vector<16xf32>,
      tpu.vector_store %arg7[%parallel_loop3A_196, %parallel_loop3A_197], %parallel_loop3A_192 {strides = array<i32>} : memref<32x2048xf32, #tpu.memory_space<vmem>>, vector<16xf32>,
      %parallel_loop3A_199 = tpu.vector_load_idx %arg6[%broadcast_in_dim3A_61, %parallel_loop3A_114] : memref<32x1024xf32, #tpu.memory_space<vmem>>[vector<16xi32>, vector<16xi32>], vector<16xf32>,
      %parallel_loop3A_200 = arith.constant 16 : i32
      %parallel_loop3A_201 = arith.muli %parallel_loop3A_110, %parallel_loop3A_200 : i32
      %parallel_loop3A_202 = arith.constant 12 : i32
      %parallel_loop3A_203 = arith.index_cast %parallel_loop3A_202 : i32 to index
      %parallel_loop3A_204 = arith.index_cast %parallel_loop3A_201 : i32 to index
      %parallel_loop3A_205 = tpu.vector_load %arg7[%parallel_loop3A_203, %parallel_loop3A_204] {strides = array<i32>} : memref<32x2048xf32, #tpu.memory_space<vmem>>, vector<16xf32>,
      tpu.vector_store %arg7[%parallel_loop3A_203, %parallel_loop3A_204], %parallel_loop3A_199 {strides = array<i32>} : memref<32x2048xf32, #tpu.memory_space<vmem>>, vector<16xf32>,
      %parallel_loop3A_206 = tpu.vector_load_idx %arg6[%broadcast_in_dim3A_63, %parallel_loop3A_114] : memref<32x1024xf32, #tpu.memory_space<vmem>>[vector<16xi32>, vector<16xi32>], vector<16xf32>,
      %parallel_loop3A_207 = arith.constant 16 : i32
      %parallel_loop3A_208 = arith.muli %parallel_loop3A_110, %parallel_loop3A_207 : i32
      %parallel_loop3A_209 = arith.constant 13 : i32
      %parallel_loop3A_210 = arith.index_cast %parallel_loop3A_209 : i32 to index
      %parallel_loop3A_211 = arith.index_cast %parallel_loop3A_208 : i32 to index
      %parallel_loop3A_212 = tpu.vector_load %arg7[%parallel_loop3A_210, %parallel_loop3A_211] {strides = array<i32>} : memref<32x2048xf32, #tpu.memory_space<vmem>>, vector<16xf32>,
      tpu.vector_store %arg7[%parallel_loop3A_210, %parallel_loop3A_211], %parallel_loop3A_206 {strides = array<i32>} : memref<32x2048xf32, #tpu.memory_space<vmem>>, vector<16xf32>,
      %parallel_loop3A_213 = tpu.vector_load_idx %arg6[%broadcast_in_dim3A_65, %parallel_loop3A_114] : memref<32x1024xf32, #tpu.memory_space<vmem>>[vector<16xi32>, vector<16xi32>], vector<16xf32>,
      %parallel_loop3A_214 = arith.constant 16 : i32
      %parallel_loop3A_215 = arith.muli %parallel_loop3A_110, %parallel_loop3A_214 : i32
      %parallel_loop3A_216 = arith.constant 14 : i32
      %parallel_loop3A_217 = arith.index_cast %parallel_loop3A_216 : i32 to index
      %parallel_loop3A_218 = arith.index_cast %parallel_loop3A_215 : i32 to index
      %parallel_loop3A_219 = tpu.vector_load %arg7[%parallel_loop3A_217, %parallel_loop3A_218] {strides = array<i32>} : memref<32x2048xf32, #tpu.memory_space<vmem>>, vector<16xf32>,
      tpu.vector_store %arg7[%parallel_loop3A_217, %parallel_loop3A_218], %parallel_loop3A_213 {strides = array<i32>} : memref<32x2048xf32, #tpu.memory_space<vmem>>, vector<16xf32>,
      %parallel_loop3A_220 = tpu.vector_load_idx %arg6[%broadcast_in_dim3A_67, %parallel_loop3A_114] : memref<32x1024xf32, #tpu.memory_space<vmem>>[vector<16xi32>, vector<16xi32>], vector<16xf32>,
      %parallel_loop3A_221 = arith.constant 16 : i32
      %parallel_loop3A_222 = arith.muli %parallel_loop3A_110, %parallel_loop3A_221 : i32
      %parallel_loop3A_223 = arith.constant 15 : i32
      %parallel_loop3A_224 = arith.index_cast %parallel_loop3A_223 : i32 to index
      %parallel_loop3A_225 = arith.index_cast %parallel_loop3A_222 : i32 to index
      %parallel_loop3A_226 = tpu.vector_load %arg7[%parallel_loop3A_224, %parallel_loop3A_225] {strides = array<i32>} : memref<32x2048xf32, #tpu.memory_space<vmem>>, vector<16xf32>,
      tpu.vector_store %arg7[%parallel_loop3A_224, %parallel_loop3A_225], %parallel_loop3A_220 {strides = array<i32>} : memref<32x2048xf32, #tpu.memory_space<vmem>>, vector<16xf32>,
      %parallel_loop3A_227 = tpu.vector_load_idx %arg6[%broadcast_in_dim3A_69, %parallel_loop3A_114] : memref<32x1024xf32, #tpu.memory_space<vmem>>[vector<16xi32>, vector<16xi32>], vector<16xf32>,
      %parallel_loop3A_228 = arith.constant 16 : i32
      %parallel_loop3A_229 = arith.muli %parallel_loop3A_110, %parallel_loop3A_228 : i32
      %parallel_loop3A_230 = arith.constant 16 : i32
      %parallel_loop3A_231 = arith.index_cast %parallel_loop3A_230 : i32 to index
      %parallel_loop3A_232 = arith.index_cast %parallel_loop3A_229 : i32 to index
      %parallel_loop3A_233 = tpu.vector_load %arg7[%parallel_loop3A_231, %parallel_loop3A_232] {strides = array<i32>} : memref<32x2048xf32, #tpu.memory_space<vmem>>, vector<16xf32>,
      tpu.vector_store %arg7[%parallel_loop3A_231, %parallel_loop3A_232], %parallel_loop3A_227 {strides = array<i32>} : memref<32x2048xf32, #tpu.memory_space<vmem>>, vector<16xf32>,
      %parallel_loop3A_234 = tpu.vector_load_idx %arg6[%broadcast_in_dim3A_71, %parallel_loop3A_114] : memref<32x1024xf32, #tpu.memory_space<vmem>>[vector<16xi32>, vector<16xi32>], vector<16xf32>,
      %parallel_loop3A_235 = arith.constant 16 : i32
      %parallel_loop3A_236 = arith.muli %parallel_loop3A_110, %parallel_loop3A_235 : i32
      %parallel_loop3A_237 = arith.constant 17 : i32
      %parallel_loop3A_238 = arith.index_cast %parallel_loop3A_237 : i32 to index
      %parallel_loop3A_239 = arith.index_cast %parallel_loop3A_236 : i32 to index
      %parallel_loop3A_240 = tpu.vector_load %arg7[%parallel_loop3A_238, %parallel_loop3A_239] {strides = array<i32>} : memref<32x2048xf32, #tpu.memory_space<vmem>>, vector<16xf32>,
      tpu.vector_store %arg7[%parallel_loop3A_238, %parallel_loop3A_239], %parallel_loop3A_234 {strides = array<i32>} : memref<32x2048xf32, #tpu.memory_space<vmem>>, vector<16xf32>,
      %parallel_loop3A_241 = tpu.vector_load_idx %arg6[%broadcast_in_dim3A_73, %parallel_loop3A_114] : memref<32x1024xf32, #tpu.memory_space<vmem>>[vector<16xi32>, vector<16xi32>], vector<16xf32>,
      %parallel_loop3A_242 = arith.constant 16 : i32
      %parallel_loop3A_243 = arith.muli %parallel_loop3A_110, %parallel_loop3A_242 : i32
      %parallel_loop3A_244 = arith.constant 18 : i32
      %parallel_loop3A_245 = arith.index_cast %parallel_loop3A_244 : i32 to index
      %parallel_loop3A_246 = arith.index_cast %parallel_loop3A_243 : i32 to index
      %parallel_loop3A_247 = tpu.vector_load %arg7[%parallel_loop3A_245, %parallel_loop3A_246] {strides = array<i32>} : memref<32x2048xf32, #tpu.memory_space<vmem>>, vector<16xf32>,
      tpu.vector_store %arg7[%parallel_loop3A_245, %parallel_loop3A_246], %parallel_loop3A_241 {strides = array<i32>} : memref<32x2048xf32, #tpu.memory_space<vmem>>, vector<16xf32>,
      %parallel_loop3A_248 = tpu.vector_load_idx %arg6[%broadcast_in_dim3A_75, %parallel_loop3A_114] : memref<32x1024xf32, #tpu.memory_space<vmem>>[vector<16xi32>, vector<16xi32>], vector<16xf32>,
      %parallel_loop3A_249 = arith.constant 16 : i32
      %parallel_loop3A_250 = arith.muli %parallel_loop3A_110, %parallel_loop3A_249 : i32
      %parallel_loop3A_251 = arith.constant 19 : i32
      %parallel_loop3A_252 = arith.index_cast %parallel_loop3A_251 : i32 to index
      %parallel_loop3A_253 = arith.index_cast %parallel_loop3A_250 : i32 to index
      %parallel_loop3A_254 = tpu.vector_load %arg7[%parallel_loop3A_252, %parallel_loop3A_253] {strides = array<i32>} : memref<32x2048xf32, #tpu.memory_space<vmem>>, vector<16xf32>,
      tpu.vector_store %arg7[%parallel_loop3A_252, %parallel_loop3A_253], %parallel_loop3A_248 {strides = array<i32>} : memref<32x2048xf32, #tpu.memory_space<vmem>>, vector<16xf32>,
      %parallel_loop3A_255 = tpu.vector_load_idx %arg6[%broadcast_in_dim3A_77, %parallel_loop3A_114] : memref<32x1024xf32, #tpu.memory_space<vmem>>[vector<16xi32>, vector<16xi32>], vector<16xf32>,
      %parallel_loop3A_256 = arith.constant 16 : i32
      %parallel_loop3A_257 = arith.muli %parallel_loop3A_110, %parallel_loop3A_256 : i32
      %parallel_loop3A_258 = arith.constant 20 : i32
      %parallel_loop3A_259 = arith.index_cast %parallel_loop3A_258 : i32 to index
      %parallel_loop3A_260 = arith.index_cast %parallel_loop3A_257 : i32 to index
      %parallel_loop3A_261 = tpu.vector_load %arg7[%parallel_loop3A_259, %parallel_loop3A_260] {strides = array<i32>} : memref<32x2048xf32, #tpu.memory_space<vmem>>, vector<16xf32>,
      tpu.vector_store %arg7[%parallel_loop3A_259, %parallel_loop3A_260], %parallel_loop3A_255 {strides = array<i32>} : memref<32x2048xf32, #tpu.memory_space<vmem>>, vector<16xf32>,
      %parallel_loop3A_262 = tpu.vector_load_idx %arg6[%broadcast_in_dim3A_79, %parallel_loop3A_114] : memref<32x1024xf32, #tpu.memory_space<vmem>>[vector<16xi32>, vector<16xi32>], vector<16xf32>,
      %parallel_loop3A_263 = arith.constant 16 : i32
      %parallel_loop3A_264 = arith.muli %parallel_loop3A_110, %parallel_loop3A_263 : i32
      %parallel_loop3A_265 = arith.constant 21 : i32
      %parallel_loop3A_266 = arith.index_cast %parallel_loop3A_265 : i32 to index
      %parallel_loop3A_267 = arith.index_cast %parallel_loop3A_264 : i32 to index
      %parallel_loop3A_268 = tpu.vector_load %arg7[%parallel_loop3A_266, %parallel_loop3A_267] {strides = array<i32>} : memref<32x2048xf32, #tpu.memory_space<vmem>>, vector<16xf32>,
      tpu.vector_store %arg7[%parallel_loop3A_266, %parallel_loop3A_267], %parallel_loop3A_262 {strides = array<i32>} : memref<32x2048xf32, #tpu.memory_space<vmem>>, vector<16xf32>,
      %parallel_loop3A_269 = tpu.vector_load_idx %arg6[%broadcast_in_dim3A_81, %parallel_loop3A_114] : memref<32x1024xf32, #tpu.memory_space<vmem>>[vector<16xi32>, vector<16xi32>], vector<16xf32>,
      %parallel_loop3A_270 = arith.constant 16 : i32
      %parallel_loop3A_271 = arith.muli %parallel_loop3A_110, %parallel_loop3A_270 : i32
      %parallel_loop3A_272 = arith.constant 22 : i32
      %parallel_loop3A_273 = arith.index_cast %parallel_loop3A_272 : i32 to index
      %parallel_loop3A_274 = arith.index_cast %parallel_loop3A_271 : i32 to index
      %parallel_loop3A_275 = tpu.vector_load %arg7[%parallel_loop3A_273, %parallel_loop3A_274] {strides = array<i32>} : memref<32x2048xf32, #tpu.memory_space<vmem>>, vector<16xf32>,
      tpu.vector_store %arg7[%parallel_loop3A_273, %parallel_loop3A_274], %parallel_loop3A_269 {strides = array<i32>} : memref<32x2048xf32, #tpu.memory_space<vmem>>, vector<16xf32>,
      %parallel_loop3A_276 = tpu.vector_load_idx %arg6[%broadcast_in_dim3A_83, %parallel_loop3A_114] : memref<32x1024xf32, #tpu.memory_space<vmem>>[vector<16xi32>, vector<16xi32>], vector<16xf32>,
      %parallel_loop3A_277 = arith.constant 16 : i32
      %parallel_loop3A_278 = arith.muli %parallel_loop3A_110, %parallel_loop3A_277 : i32
      %parallel_loop3A_279 = arith.constant 23 : i32
      %parallel_loop3A_280 = arith.index_cast %parallel_loop3A_279 : i32 to index
      %parallel_loop3A_281 = arith.index_cast %parallel_loop3A_278 : i32 to index
      %parallel_loop3A_282 = tpu.vector_load %arg7[%parallel_loop3A_280, %parallel_loop3A_281] {strides = array<i32>} : memref<32x2048xf32, #tpu.memory_space<vmem>>, vector<16xf32>,
      tpu.vector_store %arg7[%parallel_loop3A_280, %parallel_loop3A_281], %parallel_loop3A_276 {strides = array<i32>} : memref<32x2048xf32, #tpu.memory_space<vmem>>, vector<16xf32>,
      %parallel_loop3A_283 = tpu.vector_load_idx %arg6[%broadcast_in_dim3A_85, %parallel_loop3A_114] : memref<32x1024xf32, #tpu.memory_space<vmem>>[vector<16xi32>, vector<16xi32>], vector<16xf32>,
      %parallel_loop3A_284 = arith.constant 16 : i32
      %parallel_loop3A_285 = arith.muli %parallel_loop3A_110, %parallel_loop3A_284 : i32
      %parallel_loop3A_286 = arith.constant 24 : i32
      %parallel_loop3A_287 = arith.index_cast %parallel_loop3A_286 : i32 to index
      %parallel_loop3A_288 = arith.index_cast %parallel_loop3A_285 : i32 to index
      %parallel_loop3A_289 = tpu.vector_load %arg7[%parallel_loop3A_287, %parallel_loop3A_288] {strides = array<i32>} : memref<32x2048xf32, #tpu.memory_space<vmem>>, vector<16xf32>,
      tpu.vector_store %arg7[%parallel_loop3A_287, %parallel_loop3A_288], %parallel_loop3A_283 {strides = array<i32>} : memref<32x2048xf32, #tpu.memory_space<vmem>>, vector<16xf32>,
      %parallel_loop3A_290 = tpu.vector_load_idx %arg6[%broadcast_in_dim3A_87, %parallel_loop3A_114] : memref<32x1024xf32, #tpu.memory_space<vmem>>[vector<16xi32>, vector<16xi32>], vector<16xf32>,
      %parallel_loop3A_291 = arith.constant 16 : i32
      %parallel_loop3A_292 = arith.muli %parallel_loop3A_110, %parallel_loop3A_291 : i32
      %parallel_loop3A_293 = arith.constant 25 : i32
      %parallel_loop3A_294 = arith.index_cast %parallel_loop3A_293 : i32 to index
      %parallel_loop3A_295 = arith.index_cast %parallel_loop3A_292 : i32 to index
      %parallel_loop3A_296 = tpu.vector_load %arg7[%parallel_loop3A_294, %parallel_loop3A_295] {strides = array<i32>} : memref<32x2048xf32, #tpu.memory_space<vmem>>, vector<16xf32>,
      tpu.vector_store %arg7[%parallel_loop3A_294, %parallel_loop3A_295], %parallel_loop3A_290 {strides = array<i32>} : memref<32x2048xf32, #tpu.memory_space<vmem>>, vector<16xf32>,
      %parallel_loop3A_297 = tpu.vector_load_idx %arg6[%broadcast_in_dim3A_89, %parallel_loop3A_114] : memref<32x1024xf32, #tpu.memory_space<vmem>>[vector<16xi32>, vector<16xi32>], vector<16xf32>,
      %parallel_loop3A_298 = arith.constant 16 : i32
      %parallel_loop3A_299 = arith.muli %parallel_loop3A_110, %parallel_loop3A_298 : i32
      %parallel_loop3A_300 = arith.constant 26 : i32
      %parallel_loop3A_301 = arith.index_cast %parallel_loop3A_300 : i32 to index
      %parallel_loop3A_302 = arith.index_cast %parallel_loop3A_299 : i32 to index
      %parallel_loop3A_303 = tpu.vector_load %arg7[%parallel_loop3A_301, %parallel_loop3A_302] {strides = array<i32>} : memref<32x2048xf32, #tpu.memory_space<vmem>>, vector<16xf32>,
      tpu.vector_store %arg7[%parallel_loop3A_301, %parallel_loop3A_302], %parallel_loop3A_297 {strides = array<i32>} : memref<32x2048xf32, #tpu.memory_space<vmem>>, vector<16xf32>,
      %parallel_loop3A_304 = tpu.vector_load_idx %arg6[%broadcast_in_dim3A_91, %parallel_loop3A_114] : memref<32x1024xf32, #tpu.memory_space<vmem>>[vector<16xi32>, vector<16xi32>], vector<16xf32>,
      %parallel_loop3A_305 = arith.constant 16 : i32
      %parallel_loop3A_306 = arith.muli %parallel_loop3A_110, %parallel_loop3A_305 : i32
      %parallel_loop3A_307 = arith.constant 27 : i32
      %parallel_loop3A_308 = arith.index_cast %parallel_loop3A_307 : i32 to index
      %parallel_loop3A_309 = arith.index_cast %parallel_loop3A_306 : i32 to index
      %parallel_loop3A_310 = tpu.vector_load %arg7[%parallel_loop3A_308, %parallel_loop3A_309] {strides = array<i32>} : memref<32x2048xf32, #tpu.memory_space<vmem>>, vector<16xf32>,
      tpu.vector_store %arg7[%parallel_loop3A_308, %parallel_loop3A_309], %parallel_loop3A_304 {strides = array<i32>} : memref<32x2048xf32, #tpu.memory_space<vmem>>, vector<16xf32>,
      %parallel_loop3A_311 = tpu.vector_load_idx %arg6[%broadcast_in_dim3A_93, %parallel_loop3A_114] : memref<32x1024xf32, #tpu.memory_space<vmem>>[vector<16xi32>, vector<16xi32>], vector<16xf32>,
      %parallel_loop3A_312 = arith.constant 16 : i32
      %parallel_loop3A_313 = arith.muli %parallel_loop3A_110, %parallel_loop3A_312 : i32
      %parallel_loop3A_314 = arith.constant 28 : i32
      %parallel_loop3A_315 = arith.index_cast %parallel_loop3A_314 : i32 to index
      %parallel_loop3A_316 = arith.index_cast %parallel_loop3A_313 : i32 to index
      %parallel_loop3A_317 = tpu.vector_load %arg7[%parallel_loop3A_315, %parallel_loop3A_316] {strides = array<i32>} : memref<32x2048xf32, #tpu.memory_space<vmem>>, vector<16xf32>,
      tpu.vector_store %arg7[%parallel_loop3A_315, %parallel_loop3A_316], %parallel_loop3A_311 {strides = array<i32>} : memref<32x2048xf32, #tpu.memory_space<vmem>>, vector<16xf32>,
      %parallel_loop3A_318 = tpu.vector_load_idx %arg6[%broadcast_in_dim3A_95, %parallel_loop3A_114] : memref<32x1024xf32, #tpu.memory_space<vmem>>[vector<16xi32>, vector<16xi32>], vector<16xf32>,
      %parallel_loop3A_319 = arith.constant 16 : i32
      %parallel_loop3A_320 = arith.muli %parallel_loop3A_110, %parallel_loop3A_319 : i32
      %parallel_loop3A_321 = arith.constant 29 : i32
      %parallel_loop3A_322 = arith.index_cast %parallel_loop3A_321 : i32 to index
      %parallel_loop3A_323 = arith.index_cast %parallel_loop3A_320 : i32 to index
      %parallel_loop3A_324 = tpu.vector_load %arg7[%parallel_loop3A_322, %parallel_loop3A_323] {strides = array<i32>} : memref<32x2048xf32, #tpu.memory_space<vmem>>, vector<16xf32>,
      tpu.vector_store %arg7[%parallel_loop3A_322, %parallel_loop3A_323], %parallel_loop3A_318 {strides = array<i32>} : memref<32x2048xf32, #tpu.memory_space<vmem>>, vector<16xf32>,
      %parallel_loop3A_325 = tpu.vector_load_idx %arg6[%broadcast_in_dim3A_97, %parallel_loop3A_114] : memref<32x1024xf32, #tpu.memory_space<vmem>>[vector<16xi32>, vector<16xi32>], vector<16xf32>,
      %parallel_loop3A_326 = arith.constant 16 : i32
      %parallel_loop3A_327 = arith.muli %parallel_loop3A_110, %parallel_loop3A_326 : i32
      %parallel_loop3A_328 = arith.constant 30 : i32
      %parallel_loop3A_329 = arith.index_cast %parallel_loop3A_328 : i32 to index
      %parallel_loop3A_330 = arith.index_cast %parallel_loop3A_327 : i32 to index
      %parallel_loop3A_331 = tpu.vector_load %arg7[%parallel_loop3A_329, %parallel_loop3A_330] {strides = array<i32>} : memref<32x2048xf32, #tpu.memory_space<vmem>>, vector<16xf32>,
      tpu.vector_store %arg7[%parallel_loop3A_329, %parallel_loop3A_330], %parallel_loop3A_325 {strides = array<i32>} : memref<32x2048xf32, #tpu.memory_space<vmem>>, vector<16xf32>,
      %parallel_loop3A_332 = tpu.vector_load_idx %arg6[%broadcast_in_dim3A_99, %parallel_loop3A_114] : memref<32x1024xf32, #tpu.memory_space<vmem>>[vector<16xi32>, vector<16xi32>], vector<16xf32>,
      %parallel_loop3A_333 = arith.constant 16 : i32
      %parallel_loop3A_334 = arith.muli %parallel_loop3A_110, %parallel_loop3A_333 : i32
      %parallel_loop3A_335 = arith.constant 31 : i32
      %parallel_loop3A_336 = arith.index_cast %parallel_loop3A_335 : i32 to index
      %parallel_loop3A_337 = arith.index_cast %parallel_loop3A_334 : i32 to index
      %parallel_loop3A_338 = tpu.vector_load %arg7[%parallel_loop3A_336, %parallel_loop3A_337] {strides = array<i32>} : memref<32x2048xf32, #tpu.memory_space<vmem>>, vector<16xf32>,
      tpu.vector_store %arg7[%parallel_loop3A_336, %parallel_loop3A_337], %parallel_loop3A_332 {strides = array<i32>} : memref<32x2048xf32, #tpu.memory_space<vmem>>, vector<16xf32>,
    } {sc.loop_unroll_factor = 2 : i64, sc.parallel_access}
    %add3A_102 = arith.constant 0 : i32
    %add3A_103 = arith.addi %mul3A_32, %add3A_102 : i32
    %mul3A_104 = arith.constant 32 : i32
    %mul3A_105 = arith.muli %select_n3A_9, %mul3A_104 : i32
    "tpu.region"() ({
      %run_scoped3A = tpu.sem_alloc : memref<!tpu.dma_semaphore, #tpu.memory_space<semaphore_mem>>
      %dma_start3A = arith.constant 0 : i32
      %dma_start3A_110 = arith.constant 0 : i32
      %dma_start3A_111 = tpu.memref_slice %arg7[%dma_start3A, %dma_start3A_110] : memref<32x2048xf32, #tpu.memory_space<vmem>> -> memref<32x1024xf32, #tpu.memory_space<vmem>>
      %dma_start3A_112 = arith.constant 0 : i32
      %dma_start3A_113 = tpu.memref_slice %arg4[%add3A_103, %mul3A_105, %dma_start3A_112] : memref<32x64x1024xf32, #tpu.memory_space<hbm>> -> memref<1x32x1024xf32, #tpu.memory_space<hbm>>
      %dma_start3A_114 = tpu.memref_squeeze %dma_start3A_113 : memref<1x32x1024xf32, #tpu.memory_space<hbm>> -> memref<32x1024xf32, #tpu.memory_space<hbm>>
      %dma_start3A_115 = arith.constant 0 : i32
      %dma_start3A_116 = tpu.memref_slice %arg4[%add3A_103, %mul3A_105, %dma_start3A_115] : memref<32x64x1024xf32, #tpu.memory_space<hbm>> -> memref<1x32x1024xf32, #tpu.memory_space<hbm>>
      %dma_start3A_117 = tpu.memref_squeeze %dma_start3A_116 : memref<1x32x1024xf32, #tpu.memory_space<hbm>> -> memref<32x1024xf32, #tpu.memory_space<hbm>>
      %dma_start3A_118 = arith.constant 0 : i32
      %dma_start3A_119 = arith.constant 0 : i32
      %dma_start3A_120 = tpu.memref_slice %arg7[%dma_start3A_118, %dma_start3A_119] : memref<32x2048xf32, #tpu.memory_space<vmem>> -> memref<32x1024xf32, #tpu.memory_space<vmem>>
      tpu.enqueue_dma source(%dma_start3A_120 : memref<32x1024xf32, #tpu.memory_space<vmem>>) target(%dma_start3A_117 : memref<32x1024xf32, #tpu.memory_space<hbm>>) target_semaphore(%run_scoped3A : memref<!tpu.dma_semaphore, #tpu.memory_space<semaphore_mem>>)
      %dma_wait3A = arith.constant 0 : i32
      %dma_wait3A_121 = arith.constant 0 : i32
      %dma_wait3A_122 = tpu.memref_slice %arg7[%dma_wait3A, %dma_wait3A_121] : memref<32x2048xf32, #tpu.memory_space<vmem>> -> memref<32x1024xf32, #tpu.memory_space<vmem>>
      %dma_wait3A_123 = arith.constant 0 : i32
      %dma_wait3A_124 = tpu.memref_slice %arg4[%add3A_103, %mul3A_105, %dma_wait3A_123] : memref<32x64x1024xf32, #tpu.memory_space<hbm>> -> memref<1x32x1024xf32, #tpu.memory_space<hbm>>
      %dma_wait3A_125 = tpu.memref_squeeze %dma_wait3A_124 : memref<1x32x1024xf32, #tpu.memory_space<hbm>> -> memref<32x1024xf32, #tpu.memory_space<hbm>>
      %dma_wait3A_126 = arith.constant 0 : i32
      %dma_wait3A_127 = tpu.memref_slice %arg4[%add3A_103, %mul3A_105, %dma_wait3A_126] : memref<32x64x1024xf32, #tpu.memory_space<hbm>> -> memref<1x32x1024xf32, #tpu.memory_space<hbm>>
      %dma_wait3A_128 = tpu.memref_squeeze %dma_wait3A_127 : memref<1x32x1024xf32, #tpu.memory_space<hbm>> -> memref<32x1024xf32, #tpu.memory_space<hbm>>
      %dma_wait3A_129 = arith.constant 0 : i32
      %dma_wait3A_130 = arith.constant 0 : i32
      %dma_wait3A_131 = tpu.memref_slice %arg7[%dma_wait3A_129, %dma_wait3A_130] : memref<32x2048xf32, #tpu.memory_space<vmem>> -> memref<32x1024xf32, #tpu.memory_space<vmem>>
      tpu.wait_dma2 semaphore(%run_scoped3A : memref<!tpu.dma_semaphore, #tpu.memory_space<semaphore_mem>>) src(%dma_wait3A_131 : memref<32x1024xf32, #tpu.memory_space<vmem>>) dst(%dma_wait3A_128 : memref<32x1024xf32, #tpu.memory_space<hbm>>)
      tpu.yield
    }) : () -> ()
    %add3A_106 = arith.constant 1 : i32
    %add3A_107 = arith.addi %mul3A_32, %add3A_106 : i32
    %mul3A_108 = arith.constant 32 : i32
    %mul3A_109 = arith.muli %select_n3A_9, %mul3A_108 : i32
    "tpu.region"() ({
      %run_scoped3A = tpu.sem_alloc : memref<!tpu.dma_semaphore, #tpu.memory_space<semaphore_mem>>
      %dma_start3A = arith.constant 0 : i32
      %dma_start3A_110 = arith.constant 1024 : i32
      %dma_start3A_111 = tpu.memref_slice %arg7[%dma_start3A, %dma_start3A_110] : memref<32x2048xf32, #tpu.memory_space<vmem>> -> memref<32x1024xf32, #tpu.memory_space<vmem>>
      %dma_start3A_112 = arith.constant 0 : i32
      %dma_start3A_113 = tpu.memref_slice %arg4[%add3A_107, %mul3A_109, %dma_start3A_112] : memref<32x64x1024xf32, #tpu.memory_space<hbm>> -> memref<1x32x1024xf32, #tpu.memory_space<hbm>>
      %dma_start3A_114 = tpu.memref_squeeze %dma_start3A_113 : memref<1x32x1024xf32, #tpu.memory_space<hbm>> -> memref<32x1024xf32, #tpu.memory_space<hbm>>
      %dma_start3A_115 = arith.constant 0 : i32
      %dma_start3A_116 = tpu.memref_slice %arg4[%add3A_107, %mul3A_109, %dma_start3A_115] : memref<32x64x1024xf32, #tpu.memory_space<hbm>> -> memref<1x32x1024xf32, #tpu.memory_space<hbm>>
      %dma_start3A_117 = tpu.memref_squeeze %dma_start3A_116 : memref<1x32x1024xf32, #tpu.memory_space<hbm>> -> memref<32x1024xf32, #tpu.memory_space<hbm>>
      %dma_start3A_118 = arith.constant 0 : i32
      %dma_start3A_119 = arith.constant 1024 : i32
      %dma_start3A_120 = tpu.memref_slice %arg7[%dma_start3A_118, %dma_start3A_119] : memref<32x2048xf32, #tpu.memory_space<vmem>> -> memref<32x1024xf32, #tpu.memory_space<vmem>>
      tpu.enqueue_dma source(%dma_start3A_120 : memref<32x1024xf32, #tpu.memory_space<vmem>>) target(%dma_start3A_117 : memref<32x1024xf32, #tpu.memory_space<hbm>>) target_semaphore(%run_scoped3A : memref<!tpu.dma_semaphore, #tpu.memory_space<semaphore_mem>>)
      %dma_wait3A = arith.constant 0 : i32
      %dma_wait3A_121 = arith.constant 1024 : i32
      %dma_wait3A_122 = tpu.memref_slice %arg7[%dma_wait3A, %dma_wait3A_121] : memref<32x2048xf32, #tpu.memory_space<vmem>> -> memref<32x1024xf32, #tpu.memory_space<vmem>>
      %dma_wait3A_123 = arith.constant 0 : i32
      %dma_wait3A_124 = tpu.memref_slice %arg4[%add3A_107, %mul3A_109, %dma_wait3A_123] : memref<32x64x1024xf32, #tpu.memory_space<hbm>> -> memref<1x32x1024xf32, #tpu.memory_space<hbm>>
      %dma_wait3A_125 = tpu.memref_squeeze %dma_wait3A_124 : memref<1x32x1024xf32, #tpu.memory_space<hbm>> -> memref<32x1024xf32, #tpu.memory_space<hbm>>
      %dma_wait3A_126 = arith.constant 0 : i32
      %dma_wait3A_127 = tpu.memref_slice %arg4[%add3A_107, %mul3A_109, %dma_wait3A_126] : memref<32x64x1024xf32, #tpu.memory_space<hbm>> -> memref<1x32x1024xf32, #tpu.memory_space<hbm>>
      %dma_wait3A_128 = tpu.memref_squeeze %dma_wait3A_127 : memref<1x32x1024xf32, #tpu.memory_space<hbm>> -> memref<32x1024xf32, #tpu.memory_space<hbm>>
      %dma_wait3A_129 = arith.constant 0 : i32
      %dma_wait3A_130 = arith.constant 1024 : i32
      %dma_wait3A_131 = tpu.memref_slice %arg7[%dma_wait3A_129, %dma_wait3A_130] : memref<32x2048xf32, #tpu.memory_space<vmem>> -> memref<32x1024xf32, #tpu.memory_space<vmem>>
      tpu.wait_dma2 semaphore(%run_scoped3A : memref<!tpu.dma_semaphore, #tpu.memory_space<semaphore_mem>>) src(%dma_wait3A_131 : memref<32x1024xf32, #tpu.memory_space<vmem>>) dst(%dma_wait3A_128 : memref<32x1024xf32, #tpu.memory_space<hbm>>)
      tpu.yield
    }) : () -> ()
    return
  }
}

module attributes {stable_mosaic.version = 14 : i64} {
  func.func @_vq_tc_body(%arg0: i32, %arg1: memref<4x64x1024xf32, #tpu.memory_space<vmem>>, %arg2: memref<64x1024xf32, #tpu.memory_space<vmem>>, %arg3: memref<4096xi32, #tpu.memory_space<vmem>>, %arg4: memref<1x1xf32, #tpu.memory_space<vmem>>) attributes {dimension_semantics = [#tpu.dimension_semantics<arbitrary>], iteration_bounds = array<i64: 8>, scalar_prefetch = 0 : i64, scratch_operands = 0 : i64, tpu.core_type = #tpu.core_type<tc>, window_params = [{transform_indices = @transform_0, window_bounds = array<i64: 4, 64, 1024>}, {pipeline_mode = #tpu.pipeline_mode<synchronous>, transform_indices = @transform_1, window_bounds = array<i64: 64, 1024>}, {transform_indices = @transform_2, window_bounds = array<i64: 4096>}, {pipeline_mode = #tpu.pipeline_mode<synchronous>, transform_indices = @transform_3, window_bounds = array<i64: 1, 1>}]} {
    %get3A = arith.constant 0 : index
    %get3A_0 = arith.constant 0 : index
    %get3A_1 = vector.load %arg2[%get3A, %get3A_0] : memref<64x1024xf32, #tpu.memory_space<vmem>>, vector<64x1024xf32>
    %mul3A = arith.mulf %get3A_1, %get3A_1 : vector<64x1024xf32>
    %reduce_sum3A = arith.constant dense<0.000000e+00> : vector<1024xf32>
    %reduce_sum3A_2 = vector.multi_reduction <add>, %mul3A, %reduce_sum3A [0] : vector<64x1024xf32> to vector<1024xf32>
    %reshape3A = vector.shape_cast %reduce_sum3A_2 : vector<1024xf32> to vector<1024x1xf32>
    %iota3A = tpu.iota {dimensions = array<i32: 0>} : vector<128x1024xi32>
    %convert_element_type3A = arith.sitofp %iota3A : vector<128x1024xi32> to vector<128x1024xf32>
    %get3A_3 = arith.constant 0 : index
    %get3A_4 = arith.constant 0 : index
    %get3A_5 = arith.constant 0 : index
    %get3A_6 = vector.load %arg1[%get3A_3, %get3A_4, %get3A_5] : memref<4x64x1024xf32, #tpu.memory_space<vmem>>, vector<1x64x1024xf32>
    %get3A_7 = vector.shape_cast %get3A_6 : vector<1x64x1024xf32> to vector<64x1024xf32>
    %mul3A_8 = arith.mulf %get3A_7, %get3A_7 : vector<64x1024xf32>
    %reduce_sum3A_9 = arith.constant dense<0.000000e+00> : vector<1024xf32>
    %reduce_sum3A_10 = vector.multi_reduction <add>, %mul3A_8, %reduce_sum3A_9 [0] : vector<64x1024xf32> to vector<1024xf32>
    %dot_general3A = arith.constant dense<0.000000e+00> : vector<1024x1024xf32>
    %dot_general3A_11 = tpu.matmul %get3A_1, %get3A_7, %dot_general3A {dimension_numbers = #tpu.dot_dimension_numbers<[0], [0], [1], [1], [0, 1, 1, 1], [], []>, transpose_lhs_hint = false} : vector<64x1024xf32>, vector<64x1024xf32>, vector<1024x1024xf32> -> vector<1024x1024xf32>
    %broadcast_in_dim3A = vector.shape_cast %reduce_sum3A_10 : vector<1024xf32> to vector<1x1024xf32>
    %add3A = vector.broadcast %broadcast_in_dim3A : vector<1x1024xf32> to vector<1024x1024xf32>
    %add3A_12 = vector.broadcast %reshape3A : vector<1024x1xf32> to vector<1024x1024xf32>
    %add3A_13 = arith.addf %add3A, %add3A_12 : vector<1024x1024xf32>
    %mul3A_14 = arith.constant 2.000000e+00 : f32
    %mul3A_15 = vector.broadcast %mul3A_14 : f32 to vector<1024x1024xf32>
    %mul3A_16 = arith.mulf %mul3A_15, %dot_general3A_11 : vector<1024x1024xf32>
    %sub3A = arith.subf %add3A_13, %mul3A_16 : vector<1024x1024xf32>
    %slice3A = vector.extract_strided_slice %sub3A {offsets = [0, 0], sizes = [128, 1024], strides = [1, 1]} : vector<1024x1024xf32> to vector<128x1024xf32>
    %broadcast_in_dim3A_17 = arith.constant 0.000000e+00 : f32
    %broadcast_in_dim3A_18 = vector.broadcast %broadcast_in_dim3A_17 : f32 to vector<128x1024xf32>
    %slice3A_19 = vector.extract_strided_slice %sub3A {offsets = [128, 0], sizes = [128, 1024], strides = [1, 1]} : vector<1024x1024xf32> to vector<128x1024xf32>
    %lt3A = arith.cmpf olt, %slice3A_19, %slice3A : vector<128x1024xf32>
    %min3A = arith.minimumf %slice3A, %slice3A_19 : vector<128x1024xf32>
    %jit3A = arith.constant 1.000000e+00 : f32
    %broadcast_in_dim3A_20 = vector.broadcast %jit3A : f32 to vector<128x1024xf32>
    %select_n3A = arith.select %lt3A, %broadcast_in_dim3A_20, %broadcast_in_dim3A_18 : vector<128x1024xi1>, vector<128x1024xf32>
    %slice3A_21 = vector.extract_strided_slice %sub3A {offsets = [256, 0], sizes = [128, 1024], strides = [1, 1]} : vector<1024x1024xf32> to vector<128x1024xf32>
    %lt3A_22 = arith.cmpf olt, %slice3A_21, %min3A : vector<128x1024xf32>
    %min3A_23 = arith.minimumf %min3A, %slice3A_21 : vector<128x1024xf32>
    %jit3A_24 = arith.constant 2.000000e+00 : f32
    %broadcast_in_dim3A_25 = vector.broadcast %jit3A_24 : f32 to vector<128x1024xf32>
    %select_n3A_26 = arith.select %lt3A_22, %broadcast_in_dim3A_25, %select_n3A : vector<128x1024xi1>, vector<128x1024xf32>
    %slice3A_27 = vector.extract_strided_slice %sub3A {offsets = [384, 0], sizes = [128, 1024], strides = [1, 1]} : vector<1024x1024xf32> to vector<128x1024xf32>
    %lt3A_28 = arith.cmpf olt, %slice3A_27, %min3A_23 : vector<128x1024xf32>
    %min3A_29 = arith.minimumf %min3A_23, %slice3A_27 : vector<128x1024xf32>
    %jit3A_30 = arith.constant 3.000000e+00 : f32
    %broadcast_in_dim3A_31 = vector.broadcast %jit3A_30 : f32 to vector<128x1024xf32>
    %select_n3A_32 = arith.select %lt3A_28, %broadcast_in_dim3A_31, %select_n3A_26 : vector<128x1024xi1>, vector<128x1024xf32>
    %slice3A_33 = vector.extract_strided_slice %sub3A {offsets = [512, 0], sizes = [128, 1024], strides = [1, 1]} : vector<1024x1024xf32> to vector<128x1024xf32>
    %lt3A_34 = arith.cmpf olt, %slice3A_33, %min3A_29 : vector<128x1024xf32>
    %min3A_35 = arith.minimumf %min3A_29, %slice3A_33 : vector<128x1024xf32>
    %jit3A_36 = arith.constant 4.000000e+00 : f32
    %broadcast_in_dim3A_37 = vector.broadcast %jit3A_36 : f32 to vector<128x1024xf32>
    %select_n3A_38 = arith.select %lt3A_34, %broadcast_in_dim3A_37, %select_n3A_32 : vector<128x1024xi1>, vector<128x1024xf32>
    %slice3A_39 = vector.extract_strided_slice %sub3A {offsets = [640, 0], sizes = [128, 1024], strides = [1, 1]} : vector<1024x1024xf32> to vector<128x1024xf32>
    %lt3A_40 = arith.cmpf olt, %slice3A_39, %min3A_35 : vector<128x1024xf32>
    %min3A_41 = arith.minimumf %min3A_35, %slice3A_39 : vector<128x1024xf32>
    %jit3A_42 = arith.constant 5.000000e+00 : f32
    %broadcast_in_dim3A_43 = vector.broadcast %jit3A_42 : f32 to vector<128x1024xf32>
    %select_n3A_44 = arith.select %lt3A_40, %broadcast_in_dim3A_43, %select_n3A_38 : vector<128x1024xi1>, vector<128x1024xf32>
    %slice3A_45 = vector.extract_strided_slice %sub3A {offsets = [768, 0], sizes = [128, 1024], strides = [1, 1]} : vector<1024x1024xf32> to vector<128x1024xf32>
    %lt3A_46 = arith.cmpf olt, %slice3A_45, %min3A_41 : vector<128x1024xf32>
    %min3A_47 = arith.minimumf %min3A_41, %slice3A_45 : vector<128x1024xf32>
    %jit3A_48 = arith.constant 6.000000e+00 : f32
    %broadcast_in_dim3A_49 = vector.broadcast %jit3A_48 : f32 to vector<128x1024xf32>
    %select_n3A_50 = arith.select %lt3A_46, %broadcast_in_dim3A_49, %select_n3A_44 : vector<128x1024xi1>, vector<128x1024xf32>
    %slice3A_51 = vector.extract_strided_slice %sub3A {offsets = [896, 0], sizes = [128, 1024], strides = [1, 1]} : vector<1024x1024xf32> to vector<128x1024xf32>
    %lt3A_52 = arith.cmpf olt, %slice3A_51, %min3A_47 : vector<128x1024xf32>
    %min3A_53 = arith.minimumf %min3A_47, %slice3A_51 : vector<128x1024xf32>
    %jit3A_54 = arith.constant 7.000000e+00 : f32
    %broadcast_in_dim3A_55 = vector.broadcast %jit3A_54 : f32 to vector<128x1024xf32>
    %select_n3A_56 = arith.select %lt3A_52, %broadcast_in_dim3A_55, %select_n3A_50 : vector<128x1024xi1>, vector<128x1024xf32>
    %reduce_min3A = arith.constant dense<0x7F800000> : vector<1024xf32>
    %reduce_min3A_57 = vector.multi_reduction <minimumf>, %min3A_53, %reduce_min3A [0] : vector<128x1024xf32> to vector<1024xf32>
    %mul3A_58 = arith.constant 1.280000e+02 : f32
    %mul3A_59 = vector.broadcast %mul3A_58 : f32 to vector<128x1024xf32>
    %mul3A_60 = arith.mulf %select_n3A_56, %mul3A_59 : vector<128x1024xf32>
    %add3A_61 = arith.addf %mul3A_60, %convert_element_type3A : vector<128x1024xf32>
    %broadcast_in_dim3A_62 = vector.shape_cast %reduce_min3A_57 : vector<1024xf32> to vector<1x1024xf32>
    %eq3A = vector.broadcast %broadcast_in_dim3A_62 : vector<1x1024xf32> to vector<128x1024xf32>
    %eq3A_63 = arith.cmpf oeq, %min3A_53, %eq3A : vector<128x1024xf32>
    %jit3A_64 = arith.constant 1.024000e+03 : f32
    %broadcast_in_dim3A_65 = vector.broadcast %jit3A_64 : f32 to vector<128x1024xf32>
    %select_n3A_66 = arith.select %eq3A_63, %add3A_61, %broadcast_in_dim3A_65 : vector<128x1024xi1>, vector<128x1024xf32>
    %reduce_min3A_67 = arith.constant dense<0x7F800000> : vector<1024xf32>
    %reduce_min3A_68 = vector.multi_reduction <minimumf>, %select_n3A_66, %reduce_min3A_67 [0] : vector<128x1024xf32> to vector<1024xf32>
    %convert_element_type3A_69 = arith.fptosi %reduce_min3A_68 : vector<1024xf32> to vector<1024xi32>
    %swap3A = arith.constant 0 : index
    %swap3A_70 = vector.load %arg3[%swap3A] : memref<4096xi32, #tpu.memory_space<vmem>>, vector<1024xi32>
    tpu.vector_store %arg3[%swap3A], %convert_element_type3A_69 {strides = array<i32>} : memref<4096xi32, #tpu.memory_space<vmem>>, vector<1024xi32>,
    %reduce_sum3A_71 = vector.shape_cast %reduce_min3A_57 : vector<1024xf32> to vector<1x1024xf32>
    %reduce_sum3A_72 = arith.constant dense<0.000000e+00> : vector<1xf32>
    %reduce_sum3A_73 = vector.multi_reduction <add>, %reduce_sum3A_71, %reduce_sum3A_72 [1] : vector<1x1024xf32> to vector<1xf32>
    %reduce_sum3A_74 = vector.shape_cast %reduce_sum3A_73 : vector<1xf32> to vector<1x1xf32>
    %reduce_sum3A_75 = vector.extract %reduce_sum3A_74[0, 0] : f32 from vector<1x1xf32>
    %add3A_76 = arith.constant 0.000000e+00 : f32
    %add3A_77 = arith.addf %add3A_76, %reduce_sum3A_75 : f32
    %get3A_78 = arith.constant 1 : index
    %get3A_79 = arith.constant 0 : index
    %get3A_80 = arith.constant 0 : index
    %get3A_81 = vector.load %arg1[%get3A_78, %get3A_79, %get3A_80] : memref<4x64x1024xf32, #tpu.memory_space<vmem>>, vector<1x64x1024xf32>
    %get3A_82 = vector.shape_cast %get3A_81 : vector<1x64x1024xf32> to vector<64x1024xf32>
    %mul3A_83 = arith.mulf %get3A_82, %get3A_82 : vector<64x1024xf32>
    %reduce_sum3A_84 = arith.constant dense<0.000000e+00> : vector<1024xf32>
    %reduce_sum3A_85 = vector.multi_reduction <add>, %mul3A_83, %reduce_sum3A_84 [0] : vector<64x1024xf32> to vector<1024xf32>
    %dot_general3A_86 = arith.constant dense<0.000000e+00> : vector<1024x1024xf32>
    %dot_general3A_87 = tpu.matmul %get3A_1, %get3A_82, %dot_general3A_86 {dimension_numbers = #tpu.dot_dimension_numbers<[0], [0], [1], [1], [0, 1, 1, 1], [], []>, transpose_lhs_hint = false} : vector<64x1024xf32>, vector<64x1024xf32>, vector<1024x1024xf32> -> vector<1024x1024xf32>
    %broadcast_in_dim3A_88 = vector.shape_cast %reduce_sum3A_85 : vector<1024xf32> to vector<1x1024xf32>
    %add3A_89 = vector.broadcast %broadcast_in_dim3A_88 : vector<1x1024xf32> to vector<1024x1024xf32>
    %add3A_90 = vector.broadcast %reshape3A : vector<1024x1xf32> to vector<1024x1024xf32>
    %add3A_91 = arith.addf %add3A_89, %add3A_90 : vector<1024x1024xf32>
    %mul3A_92 = arith.constant 2.000000e+00 : f32
    %mul3A_93 = vector.broadcast %mul3A_92 : f32 to vector<1024x1024xf32>
    %mul3A_94 = arith.mulf %mul3A_93, %dot_general3A_87 : vector<1024x1024xf32>
    %sub3A_95 = arith.subf %add3A_91, %mul3A_94 : vector<1024x1024xf32>
    %slice3A_96 = vector.extract_strided_slice %sub3A_95 {offsets = [0, 0], sizes = [128, 1024], strides = [1, 1]} : vector<1024x1024xf32> to vector<128x1024xf32>
    %broadcast_in_dim3A_97 = arith.constant 0.000000e+00 : f32
    %broadcast_in_dim3A_98 = vector.broadcast %broadcast_in_dim3A_97 : f32 to vector<128x1024xf32>
    %slice3A_99 = vector.extract_strided_slice %sub3A_95 {offsets = [128, 0], sizes = [128, 1024], strides = [1, 1]} : vector<1024x1024xf32> to vector<128x1024xf32>
    %lt3A_100 = arith.cmpf olt, %slice3A_99, %slice3A_96 : vector<128x1024xf32>
    %min3A_101 = arith.minimumf %slice3A_96, %slice3A_99 : vector<128x1024xf32>
    %jit3A_102 = arith.constant 1.000000e+00 : f32
    %broadcast_in_dim3A_103 = vector.broadcast %jit3A_102 : f32 to vector<128x1024xf32>
    %select_n3A_104 = arith.select %lt3A_100, %broadcast_in_dim3A_103, %broadcast_in_dim3A_98 : vector<128x1024xi1>, vector<128x1024xf32>
    %slice3A_105 = vector.extract_strided_slice %sub3A_95 {offsets = [256, 0], sizes = [128, 1024], strides = [1, 1]} : vector<1024x1024xf32> to vector<128x1024xf32>
    %lt3A_106 = arith.cmpf olt, %slice3A_105, %min3A_101 : vector<128x1024xf32>
    %min3A_107 = arith.minimumf %min3A_101, %slice3A_105 : vector<128x1024xf32>
    %jit3A_108 = arith.constant 2.000000e+00 : f32
    %broadcast_in_dim3A_109 = vector.broadcast %jit3A_108 : f32 to vector<128x1024xf32>
    %select_n3A_110 = arith.select %lt3A_106, %broadcast_in_dim3A_109, %select_n3A_104 : vector<128x1024xi1>, vector<128x1024xf32>
    %slice3A_111 = vector.extract_strided_slice %sub3A_95 {offsets = [384, 0], sizes = [128, 1024], strides = [1, 1]} : vector<1024x1024xf32> to vector<128x1024xf32>
    %lt3A_112 = arith.cmpf olt, %slice3A_111, %min3A_107 : vector<128x1024xf32>
    %min3A_113 = arith.minimumf %min3A_107, %slice3A_111 : vector<128x1024xf32>
    %jit3A_114 = arith.constant 3.000000e+00 : f32
    %broadcast_in_dim3A_115 = vector.broadcast %jit3A_114 : f32 to vector<128x1024xf32>
    %select_n3A_116 = arith.select %lt3A_112, %broadcast_in_dim3A_115, %select_n3A_110 : vector<128x1024xi1>, vector<128x1024xf32>
    %slice3A_117 = vector.extract_strided_slice %sub3A_95 {offsets = [512, 0], sizes = [128, 1024], strides = [1, 1]} : vector<1024x1024xf32> to vector<128x1024xf32>
    %lt3A_118 = arith.cmpf olt, %slice3A_117, %min3A_113 : vector<128x1024xf32>
    %min3A_119 = arith.minimumf %min3A_113, %slice3A_117 : vector<128x1024xf32>
    %jit3A_120 = arith.constant 4.000000e+00 : f32
    %broadcast_in_dim3A_121 = vector.broadcast %jit3A_120 : f32 to vector<128x1024xf32>
    %select_n3A_122 = arith.select %lt3A_118, %broadcast_in_dim3A_121, %select_n3A_116 : vector<128x1024xi1>, vector<128x1024xf32>
    %slice3A_123 = vector.extract_strided_slice %sub3A_95 {offsets = [640, 0], sizes = [128, 1024], strides = [1, 1]} : vector<1024x1024xf32> to vector<128x1024xf32>
    %lt3A_124 = arith.cmpf olt, %slice3A_123, %min3A_119 : vector<128x1024xf32>
    %min3A_125 = arith.minimumf %min3A_119, %slice3A_123 : vector<128x1024xf32>
    %jit3A_126 = arith.constant 5.000000e+00 : f32
    %broadcast_in_dim3A_127 = vector.broadcast %jit3A_126 : f32 to vector<128x1024xf32>
    %select_n3A_128 = arith.select %lt3A_124, %broadcast_in_dim3A_127, %select_n3A_122 : vector<128x1024xi1>, vector<128x1024xf32>
    %slice3A_129 = vector.extract_strided_slice %sub3A_95 {offsets = [768, 0], sizes = [128, 1024], strides = [1, 1]} : vector<1024x1024xf32> to vector<128x1024xf32>
    %lt3A_130 = arith.cmpf olt, %slice3A_129, %min3A_125 : vector<128x1024xf32>
    %min3A_131 = arith.minimumf %min3A_125, %slice3A_129 : vector<128x1024xf32>
    %jit3A_132 = arith.constant 6.000000e+00 : f32
    %broadcast_in_dim3A_133 = vector.broadcast %jit3A_132 : f32 to vector<128x1024xf32>
    %select_n3A_134 = arith.select %lt3A_130, %broadcast_in_dim3A_133, %select_n3A_128 : vector<128x1024xi1>, vector<128x1024xf32>
    %slice3A_135 = vector.extract_strided_slice %sub3A_95 {offsets = [896, 0], sizes = [128, 1024], strides = [1, 1]} : vector<1024x1024xf32> to vector<128x1024xf32>
    %lt3A_136 = arith.cmpf olt, %slice3A_135, %min3A_131 : vector<128x1024xf32>
    %min3A_137 = arith.minimumf %min3A_131, %slice3A_135 : vector<128x1024xf32>
    %jit3A_138 = arith.constant 7.000000e+00 : f32
    %broadcast_in_dim3A_139 = vector.broadcast %jit3A_138 : f32 to vector<128x1024xf32>
    %select_n3A_140 = arith.select %lt3A_136, %broadcast_in_dim3A_139, %select_n3A_134 : vector<128x1024xi1>, vector<128x1024xf32>
    %reduce_min3A_141 = arith.constant dense<0x7F800000> : vector<1024xf32>
    %reduce_min3A_142 = vector.multi_reduction <minimumf>, %min3A_137, %reduce_min3A_141 [0] : vector<128x1024xf32> to vector<1024xf32>
    %mul3A_143 = arith.constant 1.280000e+02 : f32
    %mul3A_144 = vector.broadcast %mul3A_143 : f32 to vector<128x1024xf32>
    %mul3A_145 = arith.mulf %select_n3A_140, %mul3A_144 : vector<128x1024xf32>
    %add3A_146 = arith.addf %mul3A_145, %convert_element_type3A : vector<128x1024xf32>
    %broadcast_in_dim3A_147 = vector.shape_cast %reduce_min3A_142 : vector<1024xf32> to vector<1x1024xf32>
    %eq3A_148 = vector.broadcast %broadcast_in_dim3A_147 : vector<1x1024xf32> to vector<128x1024xf32>
    %eq3A_149 = arith.cmpf oeq, %min3A_137, %eq3A_148 : vector<128x1024xf32>
    %jit3A_150 = arith.constant 1.024000e+03 : f32
    %broadcast_in_dim3A_151 = vector.broadcast %jit3A_150 : f32 to vector<128x1024xf32>
    %select_n3A_152 = arith.select %eq3A_149, %add3A_146, %broadcast_in_dim3A_151 : vector<128x1024xi1>, vector<128x1024xf32>
    %reduce_min3A_153 = arith.constant dense<0x7F800000> : vector<1024xf32>
    %reduce_min3A_154 = vector.multi_reduction <minimumf>, %select_n3A_152, %reduce_min3A_153 [0] : vector<128x1024xf32> to vector<1024xf32>
    %convert_element_type3A_155 = arith.fptosi %reduce_min3A_154 : vector<1024xf32> to vector<1024xi32>
    %swap3A_156 = arith.constant 1024 : index
    %swap3A_157 = vector.load %arg3[%swap3A_156] : memref<4096xi32, #tpu.memory_space<vmem>>, vector<1024xi32>
    tpu.vector_store %arg3[%swap3A_156], %convert_element_type3A_155 {strides = array<i32>} : memref<4096xi32, #tpu.memory_space<vmem>>, vector<1024xi32>,
    %reduce_sum3A_158 = vector.shape_cast %reduce_min3A_142 : vector<1024xf32> to vector<1x1024xf32>
    %reduce_sum3A_159 = arith.constant dense<0.000000e+00> : vector<1xf32>
    %reduce_sum3A_160 = vector.multi_reduction <add>, %reduce_sum3A_158, %reduce_sum3A_159 [1] : vector<1x1024xf32> to vector<1xf32>
    %reduce_sum3A_161 = vector.shape_cast %reduce_sum3A_160 : vector<1xf32> to vector<1x1xf32>
    %reduce_sum3A_162 = vector.extract %reduce_sum3A_161[0, 0] : f32 from vector<1x1xf32>
    %add3A_163 = arith.addf %add3A_77, %reduce_sum3A_162 : f32
    %get3A_164 = arith.constant 2 : index
    %get3A_165 = arith.constant 0 : index
    %get3A_166 = arith.constant 0 : index
    %get3A_167 = vector.load %arg1[%get3A_164, %get3A_165, %get3A_166] : memref<4x64x1024xf32, #tpu.memory_space<vmem>>, vector<1x64x1024xf32>
    %get3A_168 = vector.shape_cast %get3A_167 : vector<1x64x1024xf32> to vector<64x1024xf32>
    %mul3A_169 = arith.mulf %get3A_168, %get3A_168 : vector<64x1024xf32>
    %reduce_sum3A_170 = arith.constant dense<0.000000e+00> : vector<1024xf32>
    %reduce_sum3A_171 = vector.multi_reduction <add>, %mul3A_169, %reduce_sum3A_170 [0] : vector<64x1024xf32> to vector<1024xf32>
    %dot_general3A_172 = arith.constant dense<0.000000e+00> : vector<1024x1024xf32>
    %dot_general3A_173 = tpu.matmul %get3A_1, %get3A_168, %dot_general3A_172 {dimension_numbers = #tpu.dot_dimension_numbers<[0], [0], [1], [1], [0, 1, 1, 1], [], []>, transpose_lhs_hint = false} : vector<64x1024xf32>, vector<64x1024xf32>, vector<1024x1024xf32> -> vector<1024x1024xf32>
    %broadcast_in_dim3A_174 = vector.shape_cast %reduce_sum3A_171 : vector<1024xf32> to vector<1x1024xf32>
    %add3A_175 = vector.broadcast %broadcast_in_dim3A_174 : vector<1x1024xf32> to vector<1024x1024xf32>
    %add3A_176 = vector.broadcast %reshape3A : vector<1024x1xf32> to vector<1024x1024xf32>
    %add3A_177 = arith.addf %add3A_175, %add3A_176 : vector<1024x1024xf32>
    %mul3A_178 = arith.constant 2.000000e+00 : f32
    %mul3A_179 = vector.broadcast %mul3A_178 : f32 to vector<1024x1024xf32>
    %mul3A_180 = arith.mulf %mul3A_179, %dot_general3A_173 : vector<1024x1024xf32>
    %sub3A_181 = arith.subf %add3A_177, %mul3A_180 : vector<1024x1024xf32>
    %slice3A_182 = vector.extract_strided_slice %sub3A_181 {offsets = [0, 0], sizes = [128, 1024], strides = [1, 1]} : vector<1024x1024xf32> to vector<128x1024xf32>
    %broadcast_in_dim3A_183 = arith.constant 0.000000e+00 : f32
    %broadcast_in_dim3A_184 = vector.broadcast %broadcast_in_dim3A_183 : f32 to vector<128x1024xf32>
    %slice3A_185 = vector.extract_strided_slice %sub3A_181 {offsets = [128, 0], sizes = [128, 1024], strides = [1, 1]} : vector<1024x1024xf32> to vector<128x1024xf32>
    %lt3A_186 = arith.cmpf olt, %slice3A_185, %slice3A_182 : vector<128x1024xf32>
    %min3A_187 = arith.minimumf %slice3A_182, %slice3A_185 : vector<128x1024xf32>
    %jit3A_188 = arith.constant 1.000000e+00 : f32
    %broadcast_in_dim3A_189 = vector.broadcast %jit3A_188 : f32 to vector<128x1024xf32>
    %select_n3A_190 = arith.select %lt3A_186, %broadcast_in_dim3A_189, %broadcast_in_dim3A_184 : vector<128x1024xi1>, vector<128x1024xf32>
    %slice3A_191 = vector.extract_strided_slice %sub3A_181 {offsets = [256, 0], sizes = [128, 1024], strides = [1, 1]} : vector<1024x1024xf32> to vector<128x1024xf32>
    %lt3A_192 = arith.cmpf olt, %slice3A_191, %min3A_187 : vector<128x1024xf32>
    %min3A_193 = arith.minimumf %min3A_187, %slice3A_191 : vector<128x1024xf32>
    %jit3A_194 = arith.constant 2.000000e+00 : f32
    %broadcast_in_dim3A_195 = vector.broadcast %jit3A_194 : f32 to vector<128x1024xf32>
    %select_n3A_196 = arith.select %lt3A_192, %broadcast_in_dim3A_195, %select_n3A_190 : vector<128x1024xi1>, vector<128x1024xf32>
    %slice3A_197 = vector.extract_strided_slice %sub3A_181 {offsets = [384, 0], sizes = [128, 1024], strides = [1, 1]} : vector<1024x1024xf32> to vector<128x1024xf32>
    %lt3A_198 = arith.cmpf olt, %slice3A_197, %min3A_193 : vector<128x1024xf32>
    %min3A_199 = arith.minimumf %min3A_193, %slice3A_197 : vector<128x1024xf32>
    %jit3A_200 = arith.constant 3.000000e+00 : f32
    %broadcast_in_dim3A_201 = vector.broadcast %jit3A_200 : f32 to vector<128x1024xf32>
    %select_n3A_202 = arith.select %lt3A_198, %broadcast_in_dim3A_201, %select_n3A_196 : vector<128x1024xi1>, vector<128x1024xf32>
    %slice3A_203 = vector.extract_strided_slice %sub3A_181 {offsets = [512, 0], sizes = [128, 1024], strides = [1, 1]} : vector<1024x1024xf32> to vector<128x1024xf32>
    %lt3A_204 = arith.cmpf olt, %slice3A_203, %min3A_199 : vector<128x1024xf32>
    %min3A_205 = arith.minimumf %min3A_199, %slice3A_203 : vector<128x1024xf32>
    %jit3A_206 = arith.constant 4.000000e+00 : f32
    %broadcast_in_dim3A_207 = vector.broadcast %jit3A_206 : f32 to vector<128x1024xf32>
    %select_n3A_208 = arith.select %lt3A_204, %broadcast_in_dim3A_207, %select_n3A_202 : vector<128x1024xi1>, vector<128x1024xf32>
    %slice3A_209 = vector.extract_strided_slice %sub3A_181 {offsets = [640, 0], sizes = [128, 1024], strides = [1, 1]} : vector<1024x1024xf32> to vector<128x1024xf32>
    %lt3A_210 = arith.cmpf olt, %slice3A_209, %min3A_205 : vector<128x1024xf32>
    %min3A_211 = arith.minimumf %min3A_205, %slice3A_209 : vector<128x1024xf32>
    %jit3A_212 = arith.constant 5.000000e+00 : f32
    %broadcast_in_dim3A_213 = vector.broadcast %jit3A_212 : f32 to vector<128x1024xf32>
    %select_n3A_214 = arith.select %lt3A_210, %broadcast_in_dim3A_213, %select_n3A_208 : vector<128x1024xi1>, vector<128x1024xf32>
    %slice3A_215 = vector.extract_strided_slice %sub3A_181 {offsets = [768, 0], sizes = [128, 1024], strides = [1, 1]} : vector<1024x1024xf32> to vector<128x1024xf32>
    %lt3A_216 = arith.cmpf olt, %slice3A_215, %min3A_211 : vector<128x1024xf32>
    %min3A_217 = arith.minimumf %min3A_211, %slice3A_215 : vector<128x1024xf32>
    %jit3A_218 = arith.constant 6.000000e+00 : f32
    %broadcast_in_dim3A_219 = vector.broadcast %jit3A_218 : f32 to vector<128x1024xf32>
    %select_n3A_220 = arith.select %lt3A_216, %broadcast_in_dim3A_219, %select_n3A_214 : vector<128x1024xi1>, vector<128x1024xf32>
    %slice3A_221 = vector.extract_strided_slice %sub3A_181 {offsets = [896, 0], sizes = [128, 1024], strides = [1, 1]} : vector<1024x1024xf32> to vector<128x1024xf32>
    %lt3A_222 = arith.cmpf olt, %slice3A_221, %min3A_217 : vector<128x1024xf32>
    %min3A_223 = arith.minimumf %min3A_217, %slice3A_221 : vector<128x1024xf32>
    %jit3A_224 = arith.constant 7.000000e+00 : f32
    %broadcast_in_dim3A_225 = vector.broadcast %jit3A_224 : f32 to vector<128x1024xf32>
    %select_n3A_226 = arith.select %lt3A_222, %broadcast_in_dim3A_225, %select_n3A_220 : vector<128x1024xi1>, vector<128x1024xf32>
    %reduce_min3A_227 = arith.constant dense<0x7F800000> : vector<1024xf32>
    %reduce_min3A_228 = vector.multi_reduction <minimumf>, %min3A_223, %reduce_min3A_227 [0] : vector<128x1024xf32> to vector<1024xf32>
    %mul3A_229 = arith.constant 1.280000e+02 : f32
    %mul3A_230 = vector.broadcast %mul3A_229 : f32 to vector<128x1024xf32>
    %mul3A_231 = arith.mulf %select_n3A_226, %mul3A_230 : vector<128x1024xf32>
    %add3A_232 = arith.addf %mul3A_231, %convert_element_type3A : vector<128x1024xf32>
    %broadcast_in_dim3A_233 = vector.shape_cast %reduce_min3A_228 : vector<1024xf32> to vector<1x1024xf32>
    %eq3A_234 = vector.broadcast %broadcast_in_dim3A_233 : vector<1x1024xf32> to vector<128x1024xf32>
    %eq3A_235 = arith.cmpf oeq, %min3A_223, %eq3A_234 : vector<128x1024xf32>
    %jit3A_236 = arith.constant 1.024000e+03 : f32
    %broadcast_in_dim3A_237 = vector.broadcast %jit3A_236 : f32 to vector<128x1024xf32>
    %select_n3A_238 = arith.select %eq3A_235, %add3A_232, %broadcast_in_dim3A_237 : vector<128x1024xi1>, vector<128x1024xf32>
    %reduce_min3A_239 = arith.constant dense<0x7F800000> : vector<1024xf32>
    %reduce_min3A_240 = vector.multi_reduction <minimumf>, %select_n3A_238, %reduce_min3A_239 [0] : vector<128x1024xf32> to vector<1024xf32>
    %convert_element_type3A_241 = arith.fptosi %reduce_min3A_240 : vector<1024xf32> to vector<1024xi32>
    %swap3A_242 = arith.constant 2048 : index
    %swap3A_243 = vector.load %arg3[%swap3A_242] : memref<4096xi32, #tpu.memory_space<vmem>>, vector<1024xi32>
    tpu.vector_store %arg3[%swap3A_242], %convert_element_type3A_241 {strides = array<i32>} : memref<4096xi32, #tpu.memory_space<vmem>>, vector<1024xi32>,
    %reduce_sum3A_244 = vector.shape_cast %reduce_min3A_228 : vector<1024xf32> to vector<1x1024xf32>
    %reduce_sum3A_245 = arith.constant dense<0.000000e+00> : vector<1xf32>
    %reduce_sum3A_246 = vector.multi_reduction <add>, %reduce_sum3A_244, %reduce_sum3A_245 [1] : vector<1x1024xf32> to vector<1xf32>
    %reduce_sum3A_247 = vector.shape_cast %reduce_sum3A_246 : vector<1xf32> to vector<1x1xf32>
    %reduce_sum3A_248 = vector.extract %reduce_sum3A_247[0, 0] : f32 from vector<1x1xf32>
    %add3A_249 = arith.addf %add3A_163, %reduce_sum3A_248 : f32
    %get3A_250 = arith.constant 3 : index
    %get3A_251 = arith.constant 0 : index
    %get3A_252 = arith.constant 0 : index
    %get3A_253 = vector.load %arg1[%get3A_250, %get3A_251, %get3A_252] : memref<4x64x1024xf32, #tpu.memory_space<vmem>>, vector<1x64x1024xf32>
    %get3A_254 = vector.shape_cast %get3A_253 : vector<1x64x1024xf32> to vector<64x1024xf32>
    %mul3A_255 = arith.mulf %get3A_254, %get3A_254 : vector<64x1024xf32>
    %reduce_sum3A_256 = arith.constant dense<0.000000e+00> : vector<1024xf32>
    %reduce_sum3A_257 = vector.multi_reduction <add>, %mul3A_255, %reduce_sum3A_256 [0] : vector<64x1024xf32> to vector<1024xf32>
    %dot_general3A_258 = arith.constant dense<0.000000e+00> : vector<1024x1024xf32>
    %dot_general3A_259 = tpu.matmul %get3A_1, %get3A_254, %dot_general3A_258 {dimension_numbers = #tpu.dot_dimension_numbers<[0], [0], [1], [1], [0, 1, 1, 1], [], []>, transpose_lhs_hint = false} : vector<64x1024xf32>, vector<64x1024xf32>, vector<1024x1024xf32> -> vector<1024x1024xf32>
    %broadcast_in_dim3A_260 = vector.shape_cast %reduce_sum3A_257 : vector<1024xf32> to vector<1x1024xf32>
    %add3A_261 = vector.broadcast %broadcast_in_dim3A_260 : vector<1x1024xf32> to vector<1024x1024xf32>
    %add3A_262 = vector.broadcast %reshape3A : vector<1024x1xf32> to vector<1024x1024xf32>
    %add3A_263 = arith.addf %add3A_261, %add3A_262 : vector<1024x1024xf32>
    %mul3A_264 = arith.constant 2.000000e+00 : f32
    %mul3A_265 = vector.broadcast %mul3A_264 : f32 to vector<1024x1024xf32>
    %mul3A_266 = arith.mulf %mul3A_265, %dot_general3A_259 : vector<1024x1024xf32>
    %sub3A_267 = arith.subf %add3A_263, %mul3A_266 : vector<1024x1024xf32>
    %slice3A_268 = vector.extract_strided_slice %sub3A_267 {offsets = [0, 0], sizes = [128, 1024], strides = [1, 1]} : vector<1024x1024xf32> to vector<128x1024xf32>
    %broadcast_in_dim3A_269 = arith.constant 0.000000e+00 : f32
    %broadcast_in_dim3A_270 = vector.broadcast %broadcast_in_dim3A_269 : f32 to vector<128x1024xf32>
    %slice3A_271 = vector.extract_strided_slice %sub3A_267 {offsets = [128, 0], sizes = [128, 1024], strides = [1, 1]} : vector<1024x1024xf32> to vector<128x1024xf32>
    %lt3A_272 = arith.cmpf olt, %slice3A_271, %slice3A_268 : vector<128x1024xf32>
    %min3A_273 = arith.minimumf %slice3A_268, %slice3A_271 : vector<128x1024xf32>
    %jit3A_274 = arith.constant 1.000000e+00 : f32
    %broadcast_in_dim3A_275 = vector.broadcast %jit3A_274 : f32 to vector<128x1024xf32>
    %select_n3A_276 = arith.select %lt3A_272, %broadcast_in_dim3A_275, %broadcast_in_dim3A_270 : vector<128x1024xi1>, vector<128x1024xf32>
    %slice3A_277 = vector.extract_strided_slice %sub3A_267 {offsets = [256, 0], sizes = [128, 1024], strides = [1, 1]} : vector<1024x1024xf32> to vector<128x1024xf32>
    %lt3A_278 = arith.cmpf olt, %slice3A_277, %min3A_273 : vector<128x1024xf32>
    %min3A_279 = arith.minimumf %min3A_273, %slice3A_277 : vector<128x1024xf32>
    %jit3A_280 = arith.constant 2.000000e+00 : f32
    %broadcast_in_dim3A_281 = vector.broadcast %jit3A_280 : f32 to vector<128x1024xf32>
    %select_n3A_282 = arith.select %lt3A_278, %broadcast_in_dim3A_281, %select_n3A_276 : vector<128x1024xi1>, vector<128x1024xf32>
    %slice3A_283 = vector.extract_strided_slice %sub3A_267 {offsets = [384, 0], sizes = [128, 1024], strides = [1, 1]} : vector<1024x1024xf32> to vector<128x1024xf32>
    %lt3A_284 = arith.cmpf olt, %slice3A_283, %min3A_279 : vector<128x1024xf32>
    %min3A_285 = arith.minimumf %min3A_279, %slice3A_283 : vector<128x1024xf32>
    %jit3A_286 = arith.constant 3.000000e+00 : f32
    %broadcast_in_dim3A_287 = vector.broadcast %jit3A_286 : f32 to vector<128x1024xf32>
    %select_n3A_288 = arith.select %lt3A_284, %broadcast_in_dim3A_287, %select_n3A_282 : vector<128x1024xi1>, vector<128x1024xf32>
    %slice3A_289 = vector.extract_strided_slice %sub3A_267 {offsets = [512, 0], sizes = [128, 1024], strides = [1, 1]} : vector<1024x1024xf32> to vector<128x1024xf32>
    %lt3A_290 = arith.cmpf olt, %slice3A_289, %min3A_285 : vector<128x1024xf32>
    %min3A_291 = arith.minimumf %min3A_285, %slice3A_289 : vector<128x1024xf32>
    %jit3A_292 = arith.constant 4.000000e+00 : f32
    %broadcast_in_dim3A_293 = vector.broadcast %jit3A_292 : f32 to vector<128x1024xf32>
    %select_n3A_294 = arith.select %lt3A_290, %broadcast_in_dim3A_293, %select_n3A_288 : vector<128x1024xi1>, vector<128x1024xf32>
    %slice3A_295 = vector.extract_strided_slice %sub3A_267 {offsets = [640, 0], sizes = [128, 1024], strides = [1, 1]} : vector<1024x1024xf32> to vector<128x1024xf32>
    %lt3A_296 = arith.cmpf olt, %slice3A_295, %min3A_291 : vector<128x1024xf32>
    %min3A_297 = arith.minimumf %min3A_291, %slice3A_295 : vector<128x1024xf32>
    %jit3A_298 = arith.constant 5.000000e+00 : f32
    %broadcast_in_dim3A_299 = vector.broadcast %jit3A_298 : f32 to vector<128x1024xf32>
    %select_n3A_300 = arith.select %lt3A_296, %broadcast_in_dim3A_299, %select_n3A_294 : vector<128x1024xi1>, vector<128x1024xf32>
    %slice3A_301 = vector.extract_strided_slice %sub3A_267 {offsets = [768, 0], sizes = [128, 1024], strides = [1, 1]} : vector<1024x1024xf32> to vector<128x1024xf32>
    %lt3A_302 = arith.cmpf olt, %slice3A_301, %min3A_297 : vector<128x1024xf32>
    %min3A_303 = arith.minimumf %min3A_297, %slice3A_301 : vector<128x1024xf32>
    %jit3A_304 = arith.constant 6.000000e+00 : f32
    %broadcast_in_dim3A_305 = vector.broadcast %jit3A_304 : f32 to vector<128x1024xf32>
    %select_n3A_306 = arith.select %lt3A_302, %broadcast_in_dim3A_305, %select_n3A_300 : vector<128x1024xi1>, vector<128x1024xf32>
    %slice3A_307 = vector.extract_strided_slice %sub3A_267 {offsets = [896, 0], sizes = [128, 1024], strides = [1, 1]} : vector<1024x1024xf32> to vector<128x1024xf32>
    %lt3A_308 = arith.cmpf olt, %slice3A_307, %min3A_303 : vector<128x1024xf32>
    %min3A_309 = arith.minimumf %min3A_303, %slice3A_307 : vector<128x1024xf32>
    %jit3A_310 = arith.constant 7.000000e+00 : f32
    %broadcast_in_dim3A_311 = vector.broadcast %jit3A_310 : f32 to vector<128x1024xf32>
    %select_n3A_312 = arith.select %lt3A_308, %broadcast_in_dim3A_311, %select_n3A_306 : vector<128x1024xi1>, vector<128x1024xf32>
    %reduce_min3A_313 = arith.constant dense<0x7F800000> : vector<1024xf32>
    %reduce_min3A_314 = vector.multi_reduction <minimumf>, %min3A_309, %reduce_min3A_313 [0] : vector<128x1024xf32> to vector<1024xf32>
    %mul3A_315 = arith.constant 1.280000e+02 : f32
    %mul3A_316 = vector.broadcast %mul3A_315 : f32 to vector<128x1024xf32>
    %mul3A_317 = arith.mulf %select_n3A_312, %mul3A_316 : vector<128x1024xf32>
    %add3A_318 = arith.addf %mul3A_317, %convert_element_type3A : vector<128x1024xf32>
    %broadcast_in_dim3A_319 = vector.shape_cast %reduce_min3A_314 : vector<1024xf32> to vector<1x1024xf32>
    %eq3A_320 = vector.broadcast %broadcast_in_dim3A_319 : vector<1x1024xf32> to vector<128x1024xf32>
    %eq3A_321 = arith.cmpf oeq, %min3A_309, %eq3A_320 : vector<128x1024xf32>
    %jit3A_322 = arith.constant 1.024000e+03 : f32
    %broadcast_in_dim3A_323 = vector.broadcast %jit3A_322 : f32 to vector<128x1024xf32>
    %select_n3A_324 = arith.select %eq3A_321, %add3A_318, %broadcast_in_dim3A_323 : vector<128x1024xi1>, vector<128x1024xf32>
    %reduce_min3A_325 = arith.constant dense<0x7F800000> : vector<1024xf32>
    %reduce_min3A_326 = vector.multi_reduction <minimumf>, %select_n3A_324, %reduce_min3A_325 [0] : vector<128x1024xf32> to vector<1024xf32>
    %convert_element_type3A_327 = arith.fptosi %reduce_min3A_326 : vector<1024xf32> to vector<1024xi32>
    %swap3A_328 = arith.constant 3072 : index
    %swap3A_329 = vector.load %arg3[%swap3A_328] : memref<4096xi32, #tpu.memory_space<vmem>>, vector<1024xi32>
    tpu.vector_store %arg3[%swap3A_328], %convert_element_type3A_327 {strides = array<i32>} : memref<4096xi32, #tpu.memory_space<vmem>>, vector<1024xi32>,
    %reduce_sum3A_330 = vector.shape_cast %reduce_min3A_314 : vector<1024xf32> to vector<1x1024xf32>
    %reduce_sum3A_331 = arith.constant dense<0.000000e+00> : vector<1xf32>
    %reduce_sum3A_332 = vector.multi_reduction <add>, %reduce_sum3A_330, %reduce_sum3A_331 [1] : vector<1x1024xf32> to vector<1xf32>
    %reduce_sum3A_333 = vector.shape_cast %reduce_sum3A_332 : vector<1xf32> to vector<1x1xf32>
    %reduce_sum3A_334 = vector.extract %reduce_sum3A_333[0, 0] : f32 from vector<1x1xf32>
    %add3A_335 = arith.addf %add3A_249, %reduce_sum3A_334 : f32
    %eq3A_336 = arith.constant 0 : i32
    %eq3A_337 = arith.cmpi eq, %arg0, %eq3A_336 : i32
    %convert_element_type3A_338 = arith.extui %eq3A_337 : i1 to i32
    %cond3A = arith.constant 0 : i32
    %cond3A_339 = arith.cmpi ne, %convert_element_type3A_338, %cond3A : i32
    scf.if %cond3A_339 {
      %broadcast_in_dim3A_353 = arith.constant 0.000000e+00 : f32
      %broadcast_in_dim3A_354 = vector.broadcast %broadcast_in_dim3A_353 : f32 to vector<1x1xf32>
      %swap3A_355 = arith.constant 0 : index
      %swap3A_356 = arith.constant 0 : index
      %swap3A_357 = vector.load %arg4[%swap3A_355, %swap3A_356] : memref<1x1xf32, #tpu.memory_space<vmem>>, vector<1x1xf32>
      tpu.vector_store %arg4[%swap3A_355, %swap3A_356], %broadcast_in_dim3A_354 {strides = array<i32>} : memref<1x1xf32, #tpu.memory_space<vmem>>, vector<1x1xf32>,
    } else {
    }
    %get3A_340 = arith.constant 0 : index
    %get3A_341 = arith.constant 0 : index
    %get3A_342 = vector.load %arg4[%get3A_340, %get3A_341] : memref<1x1xf32, #tpu.memory_space<vmem>>, vector<1x1xf32>
    %reshape3A_343 = vector.broadcast %add3A_335 : f32 to vector<1x1xf32>
    %add3A_344 = arith.addf %get3A_342, %reshape3A_343 : vector<1x1xf32>
    %swap3A_345 = arith.constant 0 : index
    %swap3A_346 = arith.constant 0 : index
    %swap3A_347 = vector.load %arg4[%swap3A_345, %swap3A_346] : memref<1x1xf32, #tpu.memory_space<vmem>>, vector<1x1xf32>
    tpu.vector_store %arg4[%swap3A_345, %swap3A_346], %add3A_344 {strides = array<i32>} : memref<1x1xf32, #tpu.memory_space<vmem>>, vector<1x1xf32>,
    %eq3A_348 = arith.constant 7 : i32
    %eq3A_349 = arith.cmpi eq, %arg0, %eq3A_348 : i32
    %convert_element_type3A_350 = arith.extui %eq3A_349 : i1 to i32
    %cond3A_351 = arith.constant 0 : i32
    %cond3A_352 = arith.cmpi ne, %convert_element_type3A_350, %cond3A_351 : i32
    scf.if %cond3A_352 {
      %get3A_353 = arith.constant 0 : index
      %get3A_354 = arith.constant 0 : index
      %get3A_355 = vector.load %arg4[%get3A_353, %get3A_354] : memref<1x1xf32, #tpu.memory_space<vmem>>, vector<1x1xf32>
      %mul3A_356 = arith.constant 5.96046448E-7 : f32
      %mul3A_357 = vector.broadcast %mul3A_356 : f32 to vector<1x1xf32>
      %mul3A_358 = arith.mulf %get3A_355, %mul3A_357 : vector<1x1xf32>
      %swap3A_359 = arith.constant 0 : index
      %swap3A_360 = arith.constant 0 : index
      %swap3A_361 = vector.load %arg4[%swap3A_359, %swap3A_360] : memref<1x1xf32, #tpu.memory_space<vmem>>, vector<1x1xf32>
      tpu.vector_store %arg4[%swap3A_359, %swap3A_360], %mul3A_358 {strides = array<i32>} : memref<1x1xf32, #tpu.memory_space<vmem>>, vector<1x1xf32>,
    } else {
    }
    return
  }
  func.func @transform_0(%arg0: i32) -> (i32, i32, i32) {
    %add3A = arith.constant 0 : i32
    %add3A_0 = arith.addi %arg0, %add3A : i32
    %c0_i32 = arith.constant 0 : i32
    %c0_i32_1 = arith.constant 0 : i32
    %c0_i32_2 = arith.constant 0 : i32
    return %add3A_0, %c0_i32, %c0_i32_1 : i32, i32, i32
  }
  func.func @transform_1(%arg0: i32) -> (i32, i32) {
    %c0_i32 = arith.constant 0 : i32
    %c0_i32_0 = arith.constant 0 : i32
    %c0_i32_1 = arith.constant 0 : i32
    return %c0_i32, %c0_i32_0 : i32, i32
  }
  func.func @transform_2(%arg0: i32) -> i32 {
    %c0_i32 = arith.constant 0 : i32
    return %arg0 : i32
  }
  func.func @transform_3(%arg0: i32) -> (i32, i32) {
    %c0_i32 = arith.constant 0 : i32
    %c0_i32_0 = arith.constant 0 : i32
    %c0_i32_1 = arith.constant 0 : i32
    return %c0_i32, %c0_i32_0 : i32, i32
  }
}

</mosaic_0001>

<sc_bundles>
// kernel: kernel.4.cloned.1.call-start
scs
__scs_entry_jumppad:
0x0: {  	(pc) =	sbr.rel $0x88, $3  }
0x1: {  	(tag) =	ssettag $0x0;
	lr =	simm.s32 $0x1  }
0x2: {  	[smem:$0x3F9F] =	sst lr;
	_ =	strace $0xD0000000  }
0x3: {  	_ = 	snop  }
0x4: {  	_ = 	snop  }
0x5: {  	_ = 	snop  }
0x6: {  	_ = 	snop  }
0x7: {  	_ = 	snop  }
__scs_overlays_trampoline_lowered:
0x8: {  	[smem:$0x3FAE] =	sst s0  }
0x9: {  	[smem:$0x3FAF] =	sst s1  }
0xa: {  	[smem:$0x3FB0] =	sst s2  }
0xb: {  	[smem:$0x3FB1] =	sst s3  }
0xc: {  	[smem:$0x3FB2] =	sst s4  }
0xd: {  	[smem:$0x3FB3] =	sst s5  }
0xe: {  	[smem:$0x3FB4] =	sst s6  }
0xf: {  	[smem:$0x3FB5] =	sst s7  }
0x10: {  	[smem:$0x3FB6] =	sst s8  }
0x11: {  	[smem:$0x3FB7] =	sst s9;
	s0 =	simm.s32 @!p0 $0x0  }
0x12: {  	s1 =	sld [smem:$0x3F9D];
	s0 =	simm.s32 @p0 $0x1  }
0x13: {  	[smem:$0x3FB8] =	sst s0;
	s0 =	simm.s32 @!p1 $0x0  }
0x14: {  	s2 =	sld [smem:$0x3F9C];
	s0 =	simm.s32 @p1 $0x1  }
0x15: {  	[smem:$0x3FB9] =	sst s0;
	s0 =	simm.s32 @!p2 $0x0  }
0x16: {  	s3 =	sld [smem:$0x3FDB];
	s0 =	simm.s32 @p2 $0x1  }
0x17: {  	s4 =	simm.s32 $0x1BF5;
	[smem:$0x3FBB] =	sst s0  }
0x18: {  	s0 =	sld [smem:$0x3F9E];
	_ =	swait.ge [sflag:s4], $0x0  }
0x19: {  	s7 =	sld [smem:$0x3F9F]  }
0x1a: {  	s8 =	sadd.s32 $0xFFFFE003, lr  }
0x1b: {  	s9 =	sadd.s32 $0xFFFFFEF7, lr;
	s5 =	simm.s32 $0xFFFFFFFF;
	p2 =	slt.u32 s8, $0xFFFFF086  }
0x1c: {  	p1 =	slt.u32 s9, $0xF7A;
	s5 =	simm.s32 @!p2 $0x0  }
0x1d: {  	s5 =	simm.s32 @p1 $0x1;
	p0 =	seq.s32 s7, s2  }
0x1e: {  	s7 =	smul.u32 @!p0 $0xF7A, s2;
	p2 =	seq.s32 @!p0 s5, $0x0  }
0x1f: {  	s9 =	smul.u32 $0xF7A, s1;
	s8 =	simm.s32 @!p0 $0x1BF5;
	p2 =	por !p2, p0  }
0x20: {  	[sflag:s8] =	ssyncset.s32 @!p0 $0xFFFFF086;
	s6 =	sadd.s32 @!p0 s3, s7;
	s7 =	simm.s32 @!p0 $0x108  }
0x21: {  	s3 =	sadd.s32 s3, s9;
	s6 =	sadd.s32 @!p0 $0x88, s6;
	s7 =	simm.s32 @p2 $0x1082  }
0x22: {  	[simem:s7], [sflag:s8] =	dma.local @!p0 [hbm:s6], $0xF7A  }
0x23: {  	s9 =	sor.u32 $0xD0000000, s2;
	s6 =	simm.s32 $0x108;
	_ =	swait.ge @!p0 [sflag:s8], $0x0  }
0x24: {  	s3 =	sadd.s32 $0x88, s3;
	s6 =	simm.s32 @!p1 $0x1082;
	[sflag:s4] =	ssyncset.s32 $0xFFFFF086  }
0x25: {  	[simem:s6], [sflag:s4] =	dma.local [hbm:s3], $0xF7A  }
0x26: {  	[smem:$0x3F9F] =	sst s1;
	(tag) =	ssettag s2;
	_ =	strace s9  }
0x27: {  	s1 =	sld [smem:$0x3FAF]  }
0x28: {  	s2 =	sld [smem:$0x3FB0]  }
0x29: {  	s4 =	sld [smem:$0x3FB2]  }
0x2a: {  	p0 =	seq.s32 s5, $0x0;
	s5 =	sld [smem:$0x3FB3]  }
0x2b: {  	s6 =	sld [smem:$0x3FB4]  }
0x2c: {  	s7 =	sld [smem:$0x3FB5]  }
0x2d: {  	s3 =	simm.s32 $0x108;
	s8 =	sld [smem:$0x3FB6]  }
0x2e: {  	s3 =	simm.s32 @!p0 $0x1082;
	s9 =	sld [smem:$0x3FB7]  }
0x2f: {  	lr =	sadd.s32 s0, s3;
	s0 =	sld [smem:$0x3FAE]  }
0x30: {  	s3 =	sld [smem:$0x3FB1]  }
0x31: {  	[smem:$0x3FBA] =	sst s10  }
0x32: {  	s10 =	sld [smem:$0x3FB8];
	_ =	sdelay $0x3  }
0x33: {  	p0 =	seq.s32 s10, $0x1;
	s10 =	sld [smem:$0x3FBA];
	_ =	sdelay $0x3  }
0x34: {  	[smem:$0x3FBA] =	sst s10  }
0x35: {  	s10 =	sld [smem:$0x3FB9];
	_ =	sdelay $0x3  }
0x36: {  	p1 =	seq.s32 s10, $0x1;
	s10 =	sld [smem:$0x3FBA];
	_ =	sdelay $0x3  }
0x37: {  	[smem:$0x3FBA] =	sst s10  }
0x38: {  	s10 =	sld [smem:$0x3FBB]  }
0x39: {  	_ = 	snop;
	(pc) =	sbr.ind lr, $3  }
0x3a: {  	_ = 	snop  }
0x3b: {  	_ = 	snop  }
0x3c: {  	p2 =	seq.s32 s10, $0x1;
	s10 =	sld [smem:$0x3FBA]  }
0x3d: {  	_ =	shalt  }
0x3e: {  	_ =	shalt  }
0x3f: {  	_ =	shalt  }
0x40: {  	_ =	shalt  }
0x41: {  	_ =	shalt  }
0x42: {  	_ =	shalt  }
0x43: {  	_ =	shalt  }
0x44: {  	_ =	shalt  }
0x45: {  	_ =	shalt  }
0x46: {  	_ =	shalt  }
0x47: {  	_ =	shalt  }
0x48: {  	_ =	shalt  }
0x49: {  	_ =	shalt  }
0x4a: {  	_ =	shalt  }
0x4b: {  	_ =	shalt  }
0x4c: {  	_ =	shalt  }
0x4d: {  	_ =	shalt  }
0x4e: {  	_ =	shalt  }
0x4f: {  	_ =	shalt  }
0x50: {  	_ =	shalt  }
0x51: {  	_ =	shalt  }
0x52: {  	_ =	shalt  }
0x53: {  	_ =	shalt  }
0x54: {  	_ =	shalt  }
0x55: {  	_ =	shalt  }
0x56: {  	_ =	shalt  }
0x57: {  	_ =	shalt  }
0x58: {  	_ =	shalt  }
0x59: {  	_ =	shalt  }
0x5a: {  	_ =	shalt  }
0x5b: {  	_ =	shalt  }
0x5c: {  	_ =	shalt  }
0x5d: {  	_ =	shalt  }
0x5e: {  	_ =	shalt  }
0x5f: {  	_ =	shalt  }
0x60: {  	_ =	shalt  }
0x61: {  	_ =	shalt  }
0x62: {  	_ =	shalt  }
0x63: {  	_ =	shalt  }
0x64: {  	_ =	shalt  }
0x65: {  	_ =	shalt  }
0x66: {  	_ =	shalt  }
0x67: {  	_ =	shalt  }
0x68: {  	_ =	shalt  }
0x69: {  	_ =	shalt  }
0x6a: {  	_ =	shalt  }
0x6b: {  	_ =	shalt  }
0x6c: {  	_ =	shalt  }
0x6d: {  	_ =	shalt  }
0x6e: {  	_ =	shalt  }
0x6f: {  	_ =	shalt  }
0x70: {  	_ =	shalt  }
0x71: {  	_ =	shalt  }
0x72: {  	_ =	shalt  }
0x73: {  	_ =	shalt  }
0x74: {  	_ =	shalt  }
0x75: {  	_ =	shalt  }
0x76: {  	_ =	shalt  }
0x77: {  	_ =	shalt  }
0x78: {  	_ =	shalt  }
0x79: {  	_ =	shalt  }
0x7a: {  	_ =	shalt  }
0x7b: {  	_ =	shalt  }
0x7c: {  	_ =	shalt  }
0x7d: {  	_ =	shalt  }
0x7e: {  	_ =	shalt  }
0x7f: {  	_ =	shalt  }
0x80: {  	_ =	shalt  }
0x81: {  	_ =	shalt  }
0x82: {  	_ =	shalt  }
0x83: {  	_ =	shalt  }
0x84: {  	_ =	shalt  }
0x85: {  	_ =	shalt  }
0x86: {  	_ =	shalt  }
0x87: {  	_ =	shalt  }
.Lfunc_end0:
.L_simem_size_0:
called_computation_lowered:
.L_overlay_start_0:
0x88: {  	s2 =	sld [smem:$0x3FD9]  }
0x89: {  	s3 =	sld [smem:$0x3FFE];
	_ =	sdelay $0x1  }
0x8a: {  	s1 =	srdreg.scid  }
0x8b: {  	s0 =	sand.u32 $0x1, s1  }
0x8c: {  	s14 =	sshll.u32 s0, $0xA;
	s2 =	sadd.s32 s3, s2  }
0x8d: {  	s2 =	sadd.s32 s2, s14  }
0x8e: {  	[smem:$0x3FC6] =	sst s2  }
0x8f: {  	_ = 	snop  }
0x90: {  	s2 =	sld [smem:$0x3FD0];
	_ =	sdelay $0x2  }
0x91: {  	s4 =	simm.s32 $0xA;
	s5 =	simm.s32 $0x10;
	s15 =	sld [smem:$0x3FC8]  }
0x92: {  	[smem:s5], [sflag:s4] =	dma.local [hbm:s2], $0x1  }
0x93: {  	_ =	swait.eq [sflag:s4], $0x1  }
0x94: {  	[sflag:s4] =	ssyncset.done $0x0  }
0x95: {  	[sflag:s4] =	ssyncadd.s32 $0xFFFFFFFF  }
0x96: {  	s16 =	sld [smem:$0x10];
	(tm) =	ssettm $0x1  }
0x97: {  	s17 =	sld [smem:$0x3FFB];
	_ =	sdelay $0x3  }
0x98: {  	_ =	strace s17  }
0x99: {  	s4 =	sld [smem:$0x3FFC];
	_ =	sdelay $0x3  }
0x9a: {  	_ =	strace s4  }
0x9b: {  	s4 =	sld [smem:$0x3FFD];
	_ =	sdelay $0x3  }
0x9c: {  	_ =	strace s4  }
0x9d: {  	_ =	strace $0x8FFFFFFF  }
0x9e: {  	s18 =	sld [smem:$0x3FDB];
	_ =	sdelay $0x1  }
0x9f: {  	s19 =	simm.s32 $_scs_section_size  }
0xa0: {  	s6 =	simm.s32 $_size__tile_overlayer_lowered;
	s7 =	simm.s32 $_tile_overlayer_lowered  }
0xa1: {  	s22 =	simm.s32 $0x1BFF;
	s21 =	sshll.u32 s7, $0x1;
	s4 =	sadd.s32 s19, s18  }
0xa2: {  	s8 =	simm.s32 $0x0;
	s20 =	sshll.u32 s6, $0x1;
	s6 =	sadd.s32 s21, s4  }
0xa3: {  	[timem:s8], [sflag:s22] =	dma.local [hbm:s6], s20  }
0xa4: {  	_ =	swait.ge [sflag:s22], s20  }
0xa5: {  	s5 =	ssub.s32 $0x0, s20;
	[sflag:s22] =	ssyncset.done $0x0  }
0xa6: {  	[sflag:s22] =	ssyncadd.s32 s5;
	_ =	sdelay $0x1  }
0xa7: {  	s23 =	simm.s32 $0x1B8B  }
0xa8: {  	_ =	swait.ge [sflag:s23], $0x1  }
0xa9: {  	[sflag:s23] =	ssyncset.done $0x0  }
0xaa: {  	s25 =	simm.s32 $0x1B8E;
	s24 =	sld [smem:$0x3FFE];
	[sflag:s23] =	ssyncadd.s32 $0xFFFFFFFF  }
0xab: {  	s26 =	simm.s32 $execute0_lowered;
	[smem:$0x3FD2] =	sst s25  }
0xac: {  	s6 =	sshll.u32 s26, $0x1;
	_ =	strace $0x80000046;
	[dreg:$0x1] =	wrdreg $0xFFFFFFFF  }
0xad: {  	s28 =	simm.s32 $_size_execute0_lowered;
	s4 =	sadd.s32 s4, s6;
	[dreg:$0x0] =	wrdreg $0x0  }
0xae: {  	s6 =	sshll.u32 s28, $0x1;
	[dreg:$0x2] =	wrdreg s4  }
0xaf: {  	[dreg:$0x3] =	wrdreg s6  }
0xb0: {  	[dreg:$0x4] =	wrdreg $0xC0  }
0xb1: {  	_ =	task [dreg:s8], $0x5FFFF  }
0xb2: {  	[dreg:$0x1] =	wrdreg $0xFFFFFFFF  }
0xb3: {  	[dreg:$0x0] =	wrdreg $0x60  }
0xb4: {  	[dreg:$0x2] =	wrdreg s15  }
0xb5: {  	[dreg:$0x3] =	wrdreg s24  }
0xb6: {  	[dreg:$0x4] =	wrdreg s16  }
0xb7: {  	[dreg:$0x5] =	wrdreg $0x9  }
0xb8: {  	_ =	task.clear_ibuf [dreg:s8], $0x6FFFF;
	_ =	strace $0x90000046  }
0xb9: {  	s29 =	simm.s32 $0x9;
	_ =	strace $0x80000048  }
0xba: {  	_ =	swait.ge [sflag:s29], $0x1  }
0xbb: {  	[sflag:s29] =	ssyncadd.s32 $0xFFFFFFFF  }
0xbc: {  	_ =	strace $0x90000048  }
0xbd: {  	_ =	sfence  }
0xbe: {  	s30 =	sld [smem:$0x0];
	_ =	sdelay $0x2  }
0xbf: {  	s31 =	sshll.u32 s1, $0xD;
	s1 =	sshrl.u32 s1, $0x2  }
0xc0: {  	s3 =	sand.u32 $0x4000, s31;
	s1 =	sadd.s32 s1, s30  }
0xc1: {  	s0 =	sor.u32 s3, s0;
	s1 =	sshll.u32 s1, $0x11  }
0xc2: {  	s0 =	sor.u32 s1, s0  }
0xc3: {  	s0 =	sadd.s32 $0x8F2B, s0  }
0xc4: {  	[sflag:s0] =	ssyncadd.remote.s32 $0x1  }
0xc5: {  	_ =	sfence.sel $0xFFFF  }
0xc6: {  	[dreg:$0x0] =	wrdreg $0xFFFFFFFF;
	(pc) =	sbr.abs _section_cstart, $3  }
0xc7: {  	[dreg:$0x1] =	wrdreg $0xFFFFFFFF  }
0xc8: {  	_ =	task.clear_ibuf [dreg:s8], $0x2FFFF;
	_ =	strace $0x9FFFFFFF  }
0xc9: {  	(tm) =	ssettm $0x7FFFFFFF  }
tec
execute0_lowered:
.L_overlay_start_1:
0x0: {  	(tag) =	ssettag $0x1  }
0x1: {  	s0 =	srdreg.scid  }
0x2: {  	s6 =	stileid.u32;
	s28 =	rddreg [dreg:$0x0]  }
0x3: {  	s4 =	rddreg [dreg:$0x1];
	s3 =	simm.s32 $0x1;
	s0 =	sand.u32 $0x1, s0  }
0x4: {  	s5 =	rddreg [dreg:$0x2];
	s2 =	simm.s32 $0x0;
	s1 =	sor.u32 s0, s6  }
0x5: {  	[smem:$0x7FF] =	sst s2;
	p0 =	seq.s32 s0, $0x1;
	p1 =	seq.s32 s1, $0x0  }
0x6: {  	s18 =	simm.s32 $0x0;
	_ =	strace $0x80000047;
	p0 =	por !p1, !p0  }
0x7: {  	s8 =	ssub.s32 $0x2, s0;
	s9 =	sshll.u32 s0, $0xF;
	p0 =	por !p0, !p0  }
0x8: {  	s0 =	sshll.u32 s0, $0xC;
	s29 =	sshrl.u32 s8, $0x1;
	s3 =	simm.s32 @!p0 $0x0  }
0x9: {  	s0 =	sadd.s32 s28, s0;
	s8 =	ssub.s32 s8, s29;
	s6 =	ssub.s32 s6, s3  }
0xa: {  	[dreg:$0x4] =	wrdreg s0;
	s7 =	sshll.u32 s6, $0x8;
	s6 =	sshll.u32 s6, $0x11  }
0xb: {  	s31 =	smax.u32 s8, $0x1;
	s7 =	sand.u32 $0x1FFFFF00, s7;
	s6 =	sor.u32 s9, s6  }
0xc: {  	[dreg:$0x6] =	wrdreg s31;
	s4 =	sadd.s32 s7, s4;
	s6 =	sshrl.u32 s6, $0x3  }
0xd: {  	s3 =	simm.s32 $0x1;
	s30 =	sadd.s32 $0xE00, s4;
	s6 =	sadd.s32 s5, s6  }
0xe: {  	s9 =	simm.s32 $0x800;
	[dreg:$0x5] =	wrdreg s30;
	s7 =	sadd.s32 $0x2000, s6  }
.LBB2_1:
0xf: {  	s0 =	rddreg [dreg:$0x4]  }
0x10: {  	[tilespmem:s9], [sflag:$0x1] =	stream.linear.gather [hbm4b:s0+s2], $0x8000, $0x38;
	[tilespmem:$0x18800] =	vst v63  }
0x11: {  	_ =	swait.ge [sflag:s3], $0x8000  }
0x12: {  	[sflag:s3] =	ssyncset.done $0x0  }
0x13: {  	s19 =	rddreg [dreg:$0x5];
	[sflag:s3] =	ssyncadd.s32 $0xFFFF8000  }
0x14: {  	[tilespmem:s2], [sflag:$0x1] =	stream.linear.gather [hbm4b:s19+s2], $0x800, $0x38;
	[tilespmem:$0x18800] =	vst v63  }
0x15: {  	s30 =	sand.u32 $0x60, s2;
	_ =	swait.ge [sflag:s3], $0x800  }
0x16: {  	s20 =	sand.u32 $0x780, s2;
	s31 =	sor.u32 $0x10, s30;
	[sflag:s3] =	ssyncset.done $0x0  }
0x17: {  	s0 =	sor.u32 s31, s20;
	[sflag:s3] =	ssyncadd.s32 $0xFFFFF800  }
0x18: {  	v0 =	vld [tilespmem:s0+$0x0]  }
0x19: {  	v1 =	vld [tilespmem:s2+$0x0];
	_ =	sdelay $0x3  }
0x1a: {  	v2 =	vshll.u32 v0, $0x3  }
0x1b: {  	v0 =	vand.u32 $0x7F, v0;
	v3 =	vshll.u32 v1, $0x3;
	v2 =	vand.u32 $0xFFFFFC00, v2  }
0x1c: {  	v7 =	vor.u32 v0, v2;
	v0 =	vand.u32 $0x7F, v1;
	v1 =	vand.u32 $0xFFFFFC00, v3  }
0x1d: {  	v2 =	vor.u32 v0, v1;
	_ =	sdelay $0x3  }
0x1e: {  	v0 =	vld.idx.msk [tilespmem:v7+s9+$0x0], $0xffff  }
0x1f: {  	v1 =	vor.u32 $0x80, v7;
	v3 =	vld.idx.msk [tilespmem:v2+s9+$0x0], $0xffff  }
0x20: {  	s1 =	sand.u32 $0x3C00, s2;
	v4 =	vor.u32 $0x80, v2  }
0x21: {  	s21 =	sadd.s32 $0x8800, s1  }
0x22: {  	s4 =	sor.u32 s31, s21  }
0x23: {  	s0 =	sor.u32 s30, s21;
	[tilespmem:s4+$0x0] =	vst v0  }
0x24: {  	v0 =	vld.idx.msk [tilespmem:v1+s9+$0x0], $0xffff;
	[tilespmem:s0+$0x0] =	vst v3  }
0x25: {  	v1 =	vor.u32 $0x100, v7;
	v3 =	vld.idx.msk [tilespmem:v4+s9+$0x0], $0xffff  }
0x26: {  	v4 =	vor.u32 $0x100, v2;
	_ =	sdelay $0x2  }
0x27: {  	[tilespmem:s4+$0x80] =	vst v0  }
0x28: {  	v0 =	vld.idx.msk [tilespmem:v1+s9+$0x0], $0xffff;
	[tilespmem:s0+$0x80] =	vst v3  }
0x29: {  	v1 =	vor.u32 $0x180, v7;
	v3 =	vld.idx.msk [tilespmem:v4+s9+$0x0], $0xffff  }
0x2a: {  	v4 =	vor.u32 $0x180, v2;
	_ =	sdelay $0x2  }
0x2b: {  	[tilespmem:s4+$0x100] =	vst v0  }
0x2c: {  	v0 =	vld.idx.msk [tilespmem:v1+s9+$0x0], $0xffff;
	[tilespmem:s0+$0x100] =	vst v3  }
0x2d: {  	v1 =	vor.u32 $0x200, v7;
	v3 =	vld.idx.msk [tilespmem:v4+s9+$0x0], $0xffff  }
0x2e: {  	v4 =	vor.u32 $0x200, v2;
	_ =	sdelay $0x2  }
0x2f: {  	[tilespmem:s4+$0x180] =	vst v0  }
0x30: {  	v0 =	vld.idx.msk [tilespmem:v1+s9+$0x0], $0xffff;
	[tilespmem:s0+$0x180] =	vst v3  }
0x31: {  	v1 =	vor.u32 $0x280, v7;
	v3 =	vld.idx.msk [tilespmem:v4+s9+$0x0], $0xffff  }
0x32: {  	v4 =	vor.u32 $0x280, v2;
	_ =	sdelay $0x2  }
0x33: {  	[tilespmem:s4+$0x200] =	vst v0  }
0x34: {  	v0 =	vld.idx.msk [tilespmem:v1+s9+$0x0], $0xffff;
	[tilespmem:s0+$0x200] =	vst v3  }
0x35: {  	v1 =	vor.u32 $0x300, v7;
	v3 =	vld.idx.msk [tilespmem:v4+s9+$0x0], $0xffff  }
0x36: {  	v4 =	vor.u32 $0x300, v2;
	_ =	sdelay $0x2  }
0x37: {  	[tilespmem:s4+$0x280] =	vst v0  }
0x38: {  	s22 =	sand.u32 $0x3, s2;
	v0 =	vld.idx.msk [tilespmem:v1+s9+$0x0], $0xffff;
	[tilespmem:s0+$0x280] =	vst v3  }
0x39: {  	s23 =	sshll.u32 s22, $0x5;
	v1 =	vor.u32 $0x380, v7;
	v3 =	vld.idx.msk [tilespmem:v4+s9+$0x0], $0xffff  }
0x3a: {  	s0 =	sadd.s32 $0x0, s23;
	v4 =	vor.u32 $0x380, v2  }
0x3b: {  	s24 =	sadd.s32 $0x10, s0  }
0x3c: {  	s10 =	simm.s32 $0x20;
	s5 =	sor.u32 $0x300, s24  }
0x3d: {  	s19 =	sand.u32 $0x60, s10;
	s25 =	sor.u32 $0x300, s0;
	[tilespmem:s5+$0x8800] =	vst v0  }
0x3e: {  	s26 =	sand.u32 $0x780, s10;
	s20 =	sor.u32 $0x10, s19;
	v0 =	vld.idx.msk [tilespmem:v1+s9+$0x0], $0xffff;
	[tilespmem:s25+$0x8800] =	vst v3  }
0x3f: {  	s5 =	sor.u32 s20, s26;
	v3 =	vadd.s32 $0x2000, v7;
	v4 =	vld.idx.msk [tilespmem:v4+s9+$0x0], $0xffff  }
0x40: {  	v5 =	vadd.s32 $0x2000, v2;
	v6 =	vld [tilespmem:s5+$0x0]  }
0x41: {  	v1 =	vld [tilespmem:s10+$0x0]  }
0x42: {  	s4 =	sor.u32 $0x380, s24  }
0x43: {  	s0 =	sor.u32 $0x380, s0;
	[tilespmem:s4+$0x8800] =	vst v0  }
0x44: {  	v3 =	vld.idx.msk [tilespmem:v3+s9+$0x0], $0xffff;
	[tilespmem:s0+$0x8800] =	vst v4  }
0x45: {  	v9 =	vadd.s32 $0x2080, v2;
	v8 =	vshll.u32 v6, $0x3;
	v4 =	vadd.s32 $0x2080, v7;
	v5 =	vld.idx.msk [tilespmem:v5+s9+$0x0], $0xffff  }
0x46: {  	v0 =	vshll.u32 v1, $0x3;
	v6 =	vand.u32 $0x7F, v6;
	v8 =	vand.u32 $0xFFFFFC00, v8  }
0x47: {  	s8 =	sadd.s32 $0xC800, s1;
	v10 =	vand.u32 $0x7F, v1;
	v0 =	vand.u32 $0xFFFFFC00, v0;
	v1 =	vor.u32 v6, v8  }
0x48: {  	s10 =	sor.u32 s31, s8;
	v0 =	vor.u32 v10, v0  }
0x49: {  	s0 =	sor.u32 s30, s8;
	[tilespmem:s10+$0x0] =	vst v3  }
0x4a: {  	v3 =	vld.idx.msk [tilespmem:v4+s9+$0x0], $0xffff;
	[tilespmem:s0+$0x0] =	vst v5  }
0x4b: {  	v4 =	vadd.s32 $0x2100, v7;
	v5 =	vld.idx.msk [tilespmem:v9+s9+$0x0], $0xffff  }
0x4c: {  	v8 =	vadd.s32 $0x2100, v2;
	v6 =	vld.idx.msk [tilespmem:v1+s9+$0x0], $0xffff  }
0x4d: {  	s13 =	simm.s32 $0x100;
	s11 =	sadd.s32 $0xC880, s1;
	v10 =	vor.u32 $0x80, v1;
	v9 =	vld.idx.msk [tilespmem:v0+s9+$0x0], $0xffff  }
0x4e: {  	s12 =	sor.u32 s31, s11;
	s21 =	sand.u32 $0x3C00, s13  }
0x4f: {  	s5 =	sadd.s32 $0x8800, s21;
	s0 =	sor.u32 s30, s11;
	[tilespmem:s12+$0x0] =	vst v3  }
0x50: {  	s14 =	sor.u32 s20, s5;
	v3 =	vor.u32 $0x80, v0;
	v4 =	vld.idx.msk [tilespmem:v4+s9+$0x0], $0xffff;
	[tilespmem:s0+$0x0] =	vst v5  }
0x51: {  	s15 =	sor.u32 s19, s5;
	[tilespmem:s14+$0x0] =	vst v6;
	v5 =	vadd.s32 $0x2180, v7;
	v6 =	vld.idx.msk [tilespmem:v8+s9+$0x0], $0xffff  }
0x52: {  	[tilespmem:s15+$0x0] =	vst v9;
	v9 =	vadd.s32 $0x2180, v2;
	v8 =	vld.idx.msk [tilespmem:v10+s9+$0x0], $0xffff  }
0x53: {  	s16 =	sadd.s32 $0xC900, s1;
	v10 =	vor.u32 $0x100, v1  }
0x54: {  	s17 =	sor.u32 s31, s16  }
0x55: {  	s5 =	sor.u32 s30, s16;
	v3 =	vld.idx.msk [tilespmem:v3+s9+$0x0], $0xffff;
	[tilespmem:s17+$0x0] =	vst v4  }
0x56: {  	v4 =	vor.u32 $0x100, v0;
	v5 =	vld.idx.msk [tilespmem:v5+s9+$0x0], $0xffff;
	[tilespmem:s5+$0x0] =	vst v6  }
0x57: {  	[tilespmem:s14+$0x80] =	vst v8;
	v8 =	vld.idx.msk [tilespmem:v9+s9+$0x0], $0xffff  }
0x58: {  	v6 =	vadd.s32 $0x2200, v7;
	v9 =	vld.idx.msk [tilespmem:v10+s9+$0x0], $0xffff  }
0x59: {  	v10 =	vor.u32 $0x180, v1  }
0x5a: {  	s22 =	sadd.s32 $0xC980, s1;
	[tilespmem:s15+$0x80] =	vst v3;
	v3 =	vadd.s32 $0x2200, v2  }
0x5b: {  	s23 =	sor.u32 s31, s22;
	v4 =	vld.idx.msk [tilespmem:v4+s9+$0x0], $0xffff  }
0x5c: {  	[tilespmem:s23+$0x0] =	vst v5;
	v5 =	vor.u32 $0x180, v0  }
0x5d: {  	s5 =	sor.u32 s30, s22;
	v6 =	vld.idx.msk [tilespmem:v6+s9+$0x0], $0xffff;
	[tilespmem:s14+$0x100] =	vst v9  }
0x5e: {  	[tilespmem:s5+$0x0] =	vst v8;
	v8 =	vadd.s32 $0x2280, v7;
	v9 =	vld.idx.msk [tilespmem:v10+s9+$0x0], $0xffff  }
0x5f: {  	v10 =	vor.u32 $0x200, v1;
	v3 =	vld.idx.msk [tilespmem:v3+s9+$0x0], $0xffff  }
0x60: {  	s24 =	sadd.s32 $0xCA00, s1;
	[tilespmem:s15+$0x100] =	vst v4;
	v4 =	vadd.s32 $0x2280, v2  }
0x61: {  	s25 =	sor.u32 s31, s24;
	v5 =	vld.idx.msk [tilespmem:v5+s9+$0x0], $0xffff  }
0x62: {  	[tilespmem:s25+$0x0] =	vst v6;
	v6 =	vor.u32 $0x200, v0  }
0x63: {  	s5 =	sor.u32 s30, s24;
	v8 =	vld.idx.msk [tilespmem:v8+s9+$0x0], $0xffff;
	[tilespmem:s14+$0x180] =	vst v9  }
0x64: {  	[tilespmem:s5+$0x0] =	vst v3;
	v3 =	vadd.s32 $0x2300, v7;
	v9 =	vld.idx.msk [tilespmem:v10+s9+$0x0], $0xffff  }
0x65: {  	v10 =	vor.u32 $0x280, v1;
	v4 =	vld.idx.msk [tilespmem:v4+s9+$0x0], $0xffff  }
0x66: {  	s26 =	sadd.s32 $0xCA80, s1;
	[tilespmem:s15+$0x180] =	vst v5;
	v5 =	vadd.s32 $0x2300, v2  }
0x67: {  	s8 =	sor.u32 s31, s26;
	v6 =	vld.idx.msk [tilespmem:v6+s9+$0x0], $0xffff  }
0x68: {  	[tilespmem:s8+$0x0] =	vst v8;
	v8 =	vor.u32 $0x280, v0  }
0x69: {  	s5 =	sor.u32 s30, s26;
	v3 =	vld.idx.msk [tilespmem:v3+s9+$0x0], $0xffff;
	[tilespmem:s14+$0x200] =	vst v9  }
0x6a: {  	[tilespmem:s5+$0x0] =	vst v4;
	v4 =	vadd.s32 $0x2380, v7;
	v9 =	vld.idx.msk [tilespmem:v10+s9+$0x0], $0xffff  }
0x6b: {  	v10 =	vor.u32 $0x300, v1;
	v5 =	vld.idx.msk [tilespmem:v5+s9+$0x0], $0xffff  }
0x6c: {  	s11 =	sadd.s32 $0xCB00, s1;
	[tilespmem:s15+$0x200] =	vst v6;
	v6 =	vadd.s32 $0x2380, v2  }
0x6d: {  	s12 =	sor.u32 s31, s11;
	v8 =	vld.idx.msk [tilespmem:v8+s9+$0x0], $0xffff  }
0x6e: {  	[tilespmem:s12+$0x0] =	vst v3;
	v3 =	vor.u32 $0x300, v0  }
0x6f: {  	s13 =	simm.s32 $0x1;
	s5 =	sor.u32 s30, s11;
	v4 =	vld.idx.msk [tilespmem:v4+s9+$0x0], $0xffff;
	[tilespmem:s14+$0x280] =	vst v9  }
0x70: {  	s4 =	sand.u32 $0x3, s13;
	[tilespmem:s5+$0x0] =	vst v5;
	v5 =	vadd.s32 $0x4000, v7;
	v9 =	vld.idx.msk [tilespmem:v10+s9+$0x0], $0xffff  }
0x71: {  	s4 =	sshll.u32 s4, $0x5;
	v10 =	vor.u32 $0x380, v1;
	v6 =	vld.idx.msk [tilespmem:v6+s9+$0x0], $0xffff  }
0x72: {  	s4 =	sadd.s32 $0x100, s4;
	s14 =	sadd.s32 $0xCB80, s1;
	[tilespmem:s15+$0x280] =	vst v8;
	v8 =	vadd.s32 $0x4000, v2  }
0x73: {  	s16 =	sadd.s32 $0x10, s4;
	s15 =	sor.u32 s31, s14;
	v3 =	vld.idx.msk [tilespmem:v3+s9+$0x0], $0xffff  }
0x74: {  	s17 =	simm.s32 $0x40;
	s11 =	sor.u32 $0x300, s16;
	[tilespmem:s15+$0x0] =	vst v4;
	v4 =	vor.u32 $0x380, v0  }
0x75: {  	s22 =	sand.u32 $0x60, s17;
	s0 =	sor.u32 s30, s14;
	v5 =	vld.idx.msk [tilespmem:v5+s9+$0x0], $0xffff;
	[tilespmem:s11+$0x8800] =	vst v9  }
0x76: {  	s23 =	sor.u32 $0x10, s22;
	s26 =	sand.u32 $0x780, s17;
	[tilespmem:s0+$0x0] =	vst v6;
	v6 =	vadd.s32 $0x4080, v7;
	v9 =	vld.idx.msk [tilespmem:v10+s9+$0x0], $0xffff  }
0x77: {  	s24 =	sor.u32 $0x300, s4;
	s11 =	sor.u32 s23, s26;
	v10 =	vadd.s32 $0x2000, v1;
	v8 =	vld.idx.msk [tilespmem:v8+s9+$0x0], $0xffff  }
0x78: {  	s25 =	sadd.s32 $0x10800, s1;
	v11 =	vld [tilespmem:s11+$0x0];
	[tilespmem:s24+$0x8800] =	vst v3;
	v3 =	vadd.s32 $0x4080, v2  }
0x79: {  	s12 =	sor.u32 s31, s25;
	v4 =	vld.idx.msk [tilespmem:v4+s9+$0x0], $0xffff  }
0x7a: {  	v12 =	vld [tilespmem:s17+$0x0];
	s5 =	sor.u32 $0x380, s16;
	[tilespmem:s12+$0x0] =	vst v5;
	v5 =	vadd.s32 $0x2000, v0  }
0x7b: {  	s0 =	sor.u32 s30, s25;
	v6 =	vld.idx.msk [tilespmem:v6+s9+$0x0], $0xffff;
	[tilespmem:s5+$0x8800] =	vst v9  }
0x7c: {  	[tilespmem:s0+$0x0] =	vst v8;
	v8 =	vadd.s32 $0x4100, v7;
	v10 =	vld.idx.msk [tilespmem:v10+s9+$0x0], $0xffff  }
0x7d: {  	v14 =	vadd.s32 $0x2080, v1;
	s8 =	sor.u32 $0x380, s4;
	v9 =	vld.idx.msk [tilespmem:v3+s9+$0x0], $0xffff;
	v3 =	vshll.u32 v11, $0x3  }
0x7e: {  	v13 =	vadd.s32 $0x4100, v2;
	s10 =	sadd.s32 $0x10880, s1;
	[tilespmem:s8+$0x8800] =	vst v4;
	v4 =	vand.u32 $0x7F, v11;
	v3 =	vand.u32 $0xFFFFFC00, v3  }
0x7f: {  	s11 =	sor.u32 s31, s10;
	s12 =	sadd.s32 $0xC800, s21;
	v11 =	vshll.u32 v12, $0x3;
	v5 =	vld.idx.msk [tilespmem:v5+s9+$0x0], $0xffff;
	v3 =	vor.u32 v4, v3  }
0x80: {  	s13 =	sor.u32 s20, s12;
	v4 =	vand.u32 $0x7F, v12;
	v11 =	vand.u32 $0xFFFFFC00, v11;
	[tilespmem:s11+$0x0] =	vst v6;
	v6 =	vadd.s32 $0x2080, v0  }
0x81: {  	s0 =	sor.u32 s30, s10;
	v4 =	vor.u32 v4, v11;
	v8 =	vld.idx.msk [tilespmem:v8+s9+$0x0], $0xffff;
	[tilespmem:s13+$0x0] =	vst v10  }
0x82: {  	[tilespmem:s0+$0x0] =	vst v9;
	v9 =	vadd.s32 $0x4180, v7;
	v11 =	vld.idx.msk [tilespmem:v14+s9+$0x0], $0xffff  }
0x83: {  	s14 =	sor.u32 s19, s12;
	v12 =	vadd.s32 $0x2100, v1;
	v10 =	vld.idx.msk [tilespmem:v13+s9+$0x0], $0xffff  }
0x84: {  	s15 =	sadd.s32 $0x10900, s1;
	[tilespmem:s14+$0x0] =	vst v5;
	v5 =	vadd.s32 $0x4180, v2;
	v13 =	vld.idx.msk [tilespmem:v3+s9+$0x0], $0xffff  }
0x85: {  	s17 =	sadd.s32 $0xC880, s21;
	s16 =	sor.u32 s31, s15;
	s25 =	simm.s32 $0x200;
	v14 =	vor.u32 $0x80, v3;
	v6 =	vld.idx.msk [tilespmem:v6+s9+$0x0], $0xffff  }
0x86: {  	s26 =	sor.u32 s20, s17;
	s24 =	sand.u32 $0x3C00, s25;
	v15 =	vld.idx.msk [tilespmem:v4+s9+$0x0], $0xffff;
	[tilespmem:s16+$0x0] =	vst v8;
	v8 =	vadd.s32 $0x2100, v0  }
0x87: {  	s5 =	sadd.s32 $0x8800, s24;
	s0 =	sor.u32 s30, s15;
	v9 =	vld.idx.msk [tilespmem:v9+s9+$0x0], $0xffff;
	[tilespmem:s26+$0x0] =	vst v11;
	v11 =	vor.u32 $0x80, v4  }
0x88: {  	[tilespmem:s0+$0x0] =	vst v10;
	v10 =	vadd.s32 $0x4200, v7;
	v12 =	vld.idx.msk [tilespmem:v12+s9+$0x0], $0xffff;
	s0 =	sor.u32 s23, s5  }
0x89: {  	s4 =	sor.u32 s19, s17;
	v5 =	vld.idx.msk [tilespmem:v5+s9+$0x0], $0xffff;
	[tilespmem:s0+$0x0] =	vst v13;
	v13 =	vadd.s32 $0x2180, v1  }
0x8a: {  	s8 =	sadd.s32 $0x10980, s1;
	[tilespmem:s4+$0x0] =	vst v6;
	v6 =	vadd.s32 $0x4200, v2;
	s4 =	sor.u32 s22, s5;
	v14 =	vld.idx.msk [tilespmem:v14+s9+$0x0], $0xffff  }
0x8b: {  	s12 =	sor.u32 s31, s8;
	s14 =	sadd.s32 $0xC900, s21;
	v8 =	vld.idx.msk [tilespmem:v8+s9+$0x0], $0xffff;
	[tilespmem:s4+$0x0] =	vst v15;
	v15 =	vor.u32 $0x100, v3  }
0x8c: {  	s15 =	sor.u32 s20, s14;
	[tilespmem:s12+$0x0] =	vst v9;
	v9 =	vadd.s32 $0x2180, v0;
	v11 =	vld.idx.msk [tilespmem:v11+s9+$0x0], $0xffff  }
0x8d: {  	s13 =	sor.u32 s30, s8;
	v10 =	vld.idx.msk [tilespmem:v10+s9+$0x0], $0xffff;
	[tilespmem:s15+$0x0] =	vst v12;
	v12 =	vor.u32 $0x100, v4  }
0x8e: {  	[tilespmem:s13+$0x0] =	vst v5;
	v5 =	vadd.s32 $0x4280, v7;
	v13 =	vld.idx.msk [tilespmem:v13+s9+$0x0], $0xffff  }
0x8f: {  	s16 =	sor.u32 s19, s14;
	v6 =	vld.idx.msk [tilespmem:v6+s9+$0x0], $0xffff;
	[tilespmem:s0+$0x80] =	vst v14;
	v14 =	vadd.s32 $0x2200, v1  }
0x90: {  	s17 =	sadd.s32 $0x10A00, s1;
	[tilespmem:s16+$0x0] =	vst v8;
	v8 =	vadd.s32 $0x4280, v2;
	v15 =	vld.idx.msk [tilespmem:v15+s9+$0x0], $0xffff  }
0x91: {  	s25 =	sor.u32 s31, s17;
	s26 =	sadd.s32 $0xC980, s21;
	v9 =	vld.idx.msk [tilespmem:v9+s9+$0x0], $0xffff;
	[tilespmem:s4+$0x80] =	vst v11;
	v11 =	vor.u32 $0x180, v3  }
0x92: {  	s8 =	sor.u32 s20, s26;
	[tilespmem:s25+$0x0] =	vst v10;
	v10 =	vadd.s32 $0x2200, v0;
	v12 =	vld.idx.msk [tilespmem:v12+s9+$0x0], $0xffff  }
0x93: {  	s5 =	sor.u32 s30, s17;
	v5 =	vld.idx.msk [tilespmem:v5+s9+$0x0], $0xffff;
	[tilespmem:s8+$0x0] =	vst v13;
	v13 =	vor.u32 $0x180, v4  }
0x94: {  	[tilespmem:s5+$0x0] =	vst v6;
	v6 =	vadd.s32 $0x4300, v7;
	v14 =	vld.idx.msk [tilespmem:v14+s9+$0x0], $0xffff  }
0x95: {  	s10 =	sor.u32 s19, s26;
	v8 =	vld.idx.msk [tilespmem:v8+s9+$0x0], $0xffff;
	[tilespmem:s0+$0x100] =	vst v15;
	v15 =	vadd.s32 $0x2280, v1  }
0x96: {  	s12 =	sadd.s32 $0x10A80, s1;
	[tilespmem:s10+$0x0] =	vst v9;
	v9 =	vadd.s32 $0x4300, v2;
	v11 =	vld.idx.msk [tilespmem:v11+s9+$0x0], $0xffff  }
0x97: {  	s14 =	sadd.s32 $0xCA00, s21;
	s13 =	sor.u32 s31, s12;
	v10 =	vld.idx.msk [tilespmem:v10+s9+$0x0], $0xffff;
	[tilespmem:s4+$0x100] =	vst v12  }
0x98: {  	s15 =	sor.u32 s20, s14;
	[tilespmem:s13+$0x0] =	vst v5;
	v5 =	vadd.s32 $0x2280, v0;
	v12 =	vld.idx.msk [tilespmem:v13+s9+$0x0], $0xffff  }
0x99: {  	s5 =	sor.u32 s30, s12;
	v13 =	vor.u32 $0x200, v3;
	v6 =	vld.idx.msk [tilespmem:v6+s9+$0x0], $0xffff;
	[tilespmem:s15+$0x0] =	vst v14  }
0x9a: {  	v14 =	vor.u32 $0x200, v4;
	[tilespmem:s5+$0x0] =	vst v8;
	v15 =	vld.idx.msk [tilespmem:v15+s9+$0x0], $0xffff  }
0x9b: {  	s16 =	sor.u32 s19, s14;
	v8 =	vld.idx.msk [tilespmem:v9+s9+$0x0], $0xffff;
	v9 =	vadd.s32 $0x4380, v7;
	[tilespmem:s0+$0x180] =	vst v11  }
0x9c: {  	s17 =	sadd.s32 $0x10B00, s1;
	[tilespmem:s16+$0x0] =	vst v10;
	v10 =	vadd.s32 $0x4380, v2  }
0x9d: {  	s26 =	sadd.s32 $0xCA80, s21;
	s25 =	sor.u32 s31, s17;
	v11 =	vadd.s32 $0x2300, v1;
	v5 =	vld.idx.msk [tilespmem:v5+s9+$0x0], $0xffff;
	[tilespmem:s4+$0x180] =	vst v12  }
0x9e: {  	s8 =	sor.u32 s20, s26;
	v13 =	vld.idx.msk [tilespmem:v13+s9+$0x0], $0xffff;
	[tilespmem:s25+$0x0] =	vst v6;
	v6 =	vadd.s32 $0x2300, v0  }
0x9f: {  	s5 =	sor.u32 s30, s17;
	v12 =	vor.u32 $0x280, v3;
	v14 =	vld.idx.msk [tilespmem:v14+s9+$0x0], $0xffff;
	[tilespmem:s8+$0x0] =	vst v15  }
0xa0: {  	v15 =	vor.u32 $0x280, v4;
	v9 =	vld.idx.msk [tilespmem:v9+s9+$0x0], $0xffff;
	[tilespmem:s5+$0x0] =	vst v8  }
0xa1: {  	s10 =	sor.u32 s19, s26;
	v8 =	vadd.s32 $0x6000, v7;
	v10 =	vld.idx.msk [tilespmem:v10+s9+$0x0], $0xffff  }
0xa2: {  	v11 =	vld.idx.msk [tilespmem:v11+s9+$0x0], $0xffff;
	[tilespmem:s10+$0x0] =	vst v5;
	v5 =	vadd.s32 $0x6000, v2  }
0xa3: {  	s11 =	sadd.s32 $0x10B80, s1;
	[tilespmem:s0+$0x200] =	vst v13;
	v13 =	vadd.s32 $0x2380, v1;
	v6 =	vld.idx.msk [tilespmem:v6+s9+$0x0], $0xffff  }
0xa4: {  	s12 =	sor.u32 s31, s11;
	v12 =	vld.idx.msk [tilespmem:v12+s9+$0x0], $0xffff;
	[tilespmem:s4+$0x200] =	vst v14  }
0xa5: {  	s13 =	sadd.s32 $0xCB00, s21;
	s5 =	sor.u32 s30, s11;
	v15 =	vld.idx.msk [tilespmem:v15+s9+$0x0], $0xffff;
	[tilespmem:s12+$0x0] =	vst v9;
	v9 =	vadd.s32 $0x2380, v0  }
0xa6: {  	s14 =	sor.u32 s20, s13;
	v14 =	vor.u32 $0x300, v3;
	v8 =	vld.idx.msk [tilespmem:v8+s9+$0x0], $0xffff;
	[tilespmem:s5+$0x0] =	vst v10  }
0xa7: {  	s15 =	sor.u32 s19, s13;
	[tilespmem:s14+$0x0] =	vst v11;
	v11 =	vor.u32 $0x300, v4;
	v5 =	vld.idx.msk [tilespmem:v5+s9+$0x0], $0xffff  }
0xa8: {  	s29 =	simm.s32 $0x60;
	v10 =	vadd.s32 $0x6080, v7;
	v13 =	vld.idx.msk [tilespmem:v13+s9+$0x0], $0xffff;
	[tilespmem:s15+$0x0] =	vst v6  }
0xa9: {  	v16 =	vld [tilespmem:s29+$0x0];
	s16 =	sadd.s32 $0x14800, s1;
	v6 =	vadd.s32 $0x6080, v2;
	[tilespmem:s0+$0x280] =	vst v12  }
0xaa: {  	s17 =	sor.u32 s31, s16;
	v12 =	vadd.s32 $0x4000, v1;
	s0 =	simm.s32 $0x2;
	[tilespmem:s4+$0x280] =	vst v15;
	v9 =	vld.idx.msk [tilespmem:v9+s9+$0x0], $0xffff  }
0xab: {  	s26 =	sadd.s32 $0xCB80, s21;
	s5 =	sor.u32 s30, s16;
	v14 =	vld.idx.msk [tilespmem:v14+s9+$0x0], $0xffff;
	s25 =	sand.u32 $0x3, s0;
	[tilespmem:s17+$0x0] =	vst v8;
	v8 =	vadd.s32 $0x4000, v0  }
0xac: {  	s8 =	sor.u32 s20, s26;
	v15 =	vor.u32 $0x380, v3;
	s10 =	sshll.u32 s25, $0x5;
	v11 =	vld.idx.msk [tilespmem:v11+s9+$0x0], $0xffff;
	[tilespmem:s5+$0x0] =	vst v5  }
0xad: {  	v10 =	vld.idx.msk [tilespmem:v10+s9+$0x0], $0xffff;
	s5 =	sadd.s32 $0x200, s10;
	[tilespmem:s8+$0x0] =	vst v13;
	v13 =	vor.u32 $0x380, v4  }
0xae: {  	s4 =	sor.u32 s19, s26;
	v5 =	vadd.s32 $0x6100, v7;
	v6 =	vld.idx.msk [tilespmem:v6+s9+$0x0], $0xffff;
	s10 =	sadd.s32 $0x10, s5  }
0xaf: {  	v12 =	vld.idx.msk [tilespmem:v12+s9+$0x0], $0xffff;
	s12 =	sor.u32 $0x300, s10;
	[tilespmem:s4+$0x0] =	vst v9  }
0xb0: {  	s13 =	sadd.s32 $0x14880, s1;
	s15 =	sor.u32 $0x300, s5;
	v9 =	vadd.s32 $0x6100, v2;
	[tilespmem:s12+$0x8800] =	vst v14;
	v8 =	vld.idx.msk [tilespmem:v8+s9+$0x0], $0xffff  }
0xb1: {  	s14 =	sor.u32 s31, s13;
	s25 =	sand.u32 $0x60, s29;
	v14 =	vadd.s32 $0x4080, v1;
	[tilespmem:s15+$0x8800] =	vst v11;
	v15 =	vld.idx.msk [tilespmem:v15+s9+$0x0], $0xffff  }
0xb2: {  	s26 =	sor.u32 $0x10, s25;
	s8 =	sand.u32 $0x780, s29;
	s4 =	sor.u32 s30, s13;
	[tilespmem:s14+$0x0] =	vst v10;
	v10 =	vadd.s32 $0x4080, v0;
	v11 =	vld.idx.msk [tilespmem:v13+s9+$0x0], $0xffff  }
0xb3: {  	s16 =	sadd.s32 $0x10800, s21;
	v13 =	vadd.s32 $0x2000, v3;
	v5 =	vld.idx.msk [tilespmem:v5+s9+$0x0], $0xffff;
	[tilespmem:s4+$0x0] =	vst v6;
	s4 =	sor.u32 s26, s8  }
0xb4: {  	v17 =	vadd.s32 $0x2000, v4;
	s17 =	sor.u32 s20, s16;
	v6 =	vshll.u32 v16, $0x3;
	v18 =	vld [tilespmem:s4+$0x0]  }
0xb5: {  	s11 =	sor.u32 s19, s16;
	[tilespmem:s17+$0x0] =	vst v12;
	v12 =	vadd.s32 $0x6180, v7;
	v16 =	vand.u32 $0x7F, v16;
	v6 =	vand.u32 $0xFFFFFC00, v6;
	v9 =	vld.idx.msk [tilespmem:v9+s9+$0x0], $0xffff  }
0xb6: {  	s13 =	sor.u32 $0x380, s10;
	v14 =	vld.idx.msk [tilespmem:v14+s9+$0x0], $0xffff;
	v6 =	vor.u32 v16, v6;
	[tilespmem:s11+$0x0] =	vst v8  }
0xb7: {  	s5 =	sor.u32 $0x380, s5;
	s14 =	sadd.s32 $0x14900, s1;
	[tilespmem:s13+$0x8800] =	vst v15;
	v15 =	vadd.s32 $0x4100, v1;
	v10 =	vld.idx.msk [tilespmem:v10+s9+$0x0], $0xffff  }
0xb8: {  	s15 =	sor.u32 s31, s14;
	v8 =	vadd.s32 $0x6180, v2;
	v13 =	vld.idx.msk [tilespmem:v13+s9+$0x0], $0xffff;
	[tilespmem:s5+$0x8800] =	vst v11  }
0xb9: {  	s16 =	sor.u32 s30, s14;
	s17 =	sadd.s32 $0x10880, s21;
	v11 =	vadd.s32 $0x4100, v0;
	[tilespmem:s15+$0x0] =	vst v5;
	v16 =	vld.idx.msk [tilespmem:v17+s9+$0x0], $0xffff  }
0xba: {  	s8 =	sor.u32 s20, s17;
	v17 =	vadd.s32 $0x2080, v3;
	v12 =	vld.idx.msk [tilespmem:v12+s9+$0x0], $0xffff;
	[tilespmem:s16+$0x0] =	vst v9  }
0xbb: {  	v5 =	vshll.u32 v18, $0x3;
	[tilespmem:s8+$0x0] =	vst v14;
	v9 =	vadd.s32 $0x6200, v7;
	v19 =	vld.idx.msk [tilespmem:v6+s9+$0x0], $0xffff  }
0xbc: {  	s10 =	sor.u32 s19, s17;
	s11 =	sadd.s32 $0xC800, s24;
	v14 =	vand.u32 $0x7F, v18;
	v5 =	vand.u32 $0xFFFFFC00, v5;
	v18 =	vadd.s32 $0x2080, v4;
	v15 =	vld.idx.msk [tilespmem:v15+s9+$0x0], $0xffff  }
0xbd: {  	s13 =	sadd.s32 $0x14980, s1;
	s12 =	sor.u32 s23, s11;
	v8 =	vld.idx.msk [tilespmem:v8+s9+$0x0], $0xffff;
	v5 =	vor.u32 v14, v5;
	[tilespmem:s10+$0x0] =	vst v10  }
0xbe: {  	s14 =	sor.u32 s31, s13;
	v14 =	vadd.s32 $0x6200, v2;
	[tilespmem:s12+$0x0] =	vst v13;
	v10 =	vld.idx.msk [tilespmem:v11+s9+$0x0], $0xffff  }
0xbf: {  	s5 =	sor.u32 s22, s11;
	s15 =	sadd.s32 $0x10900, s21;
	v11 =	vadd.s32 $0x4180, v1;
	v13 =	vld.idx.msk [tilespmem:v17+s9+$0x0], $0xffff;
	[tilespmem:s14+$0x0] =	vst v12  }
0xc0: {  	s16 =	sor.u32 s20, s15;
	[tilespmem:s5+$0x0] =	vst v16;
	v12 =	vadd.s32 $0x4180, v0;
	v9 =	vld.idx.msk [tilespmem:v9+s9+$0x0], $0xffff  }
0xc1: {  	s4 =	sor.u32 s30, s13;
	v17 =	vadd.s32 $0x2100, v3;
	v16 =	vld.idx.msk [tilespmem:v18+s9+$0x0], $0xffff;
	[tilespmem:s16+$0x0] =	vst v15  }
0xc2: {  	v18 =	vld.idx.msk [tilespmem:v5+s9+$0x0], $0xffff;
	v15 =	vadd.s32 $0x6280, v7;
	[tilespmem:s4+$0x0] =	vst v8  }
0xc3: {  	v20 =	vadd.s32 $0x2100, v4;
	s17 =	sadd.s32 $0xC880, s24;
	s5 =	sor.u32 s19, s15;
	v8 =	vld.idx.msk [tilespmem:v14+s9+$0x0], $0xffff  }
0xc4: {  	s8 =	sor.u32 s23, s17;
	v21 =	vor.u32 $0x80, v5;
	s10 =	simm.s32 $0x300;
	s4 =	sadd.s32 $0x14A00, s1;
	v11 =	vld.idx.msk [tilespmem:v11+s9+$0x0], $0xffff;
	[tilespmem:s5+$0x0] =	vst v10  }
0xc5: {  	s28 =	sand.u32 $0x3C00, s10;
	s13 =	sor.u32 s31, s4;
	[tilespmem:s8+$0x0] =	vst v13;
	v13 =	vor.u32 $0x80, v6;
	v10 =	vld.idx.msk [tilespmem:v12+s9+$0x0], $0xffff  }
0xc6: {  	s11 =	sor.u32 s22, s17;
	s14 =	sadd.s32 $0x8800, s28;
	v12 =	vadd.s32 $0x4200, v1;
	v14 =	vld.idx.msk [tilespmem:v17+s9+$0x0], $0xffff;
	[tilespmem:s13+$0x0] =	vst v9  }
0xc7: {  	s17 =	sor.u32 s26, s14;
	[tilespmem:s11+$0x0] =	vst v16;
	v9 =	vadd.s32 $0x4200, v0;
	v15 =	vld.idx.msk [tilespmem:v15+s9+$0x0], $0xffff  }
0xc8: {  	s15 =	sadd.s32 $0x10980, s21;
	s16 =	sor.u32 s25, s14;
	v17 =	vadd.s32 $0x2180, v3;
	[tilespmem:s17+$0x0] =	vst v18;
	v16 =	vld.idx.msk [tilespmem:v20+s9+$0x0], $0xffff  }
0xc9: {  	[tilespmem:s16+$0x0] =	vst v19;
	v19 =	vadd.s32 $0x2180, v4;
	s8 =	sor.u32 s20, s15;
	v18 =	vld.idx.msk [tilespmem:v21+s9+$0x0], $0xffff  }
0xca: {  	s5 =	sor.u32 s19, s15;
	s13 =	sadd.s32 $0xC900, s24;
	[tilespmem:s8+$0x0] =	vst v11;
	v11 =	vadd.s32 $0x6300, v7;
	v13 =	vld.idx.msk [tilespmem:v13+s9+$0x0], $0xffff  }
0xcb: {  	v20 =	vor.u32 $0x100, v5;
	s14 =	sor.u32 s23, s13;
	v12 =	vld.idx.msk [tilespmem:v12+s9+$0x0], $0xffff;
	[tilespmem:s5+$0x0] =	vst v10  }
0xcc: {  	s11 =	sor.u32 s22, s13;
	s5 =	sadd.s32 $0x14A80, s1;
	[tilespmem:s14+$0x0] =	vst v14;
	v14 =	vor.u32 $0x100, v6;
	v9 =	vld.idx.msk [tilespmem:v9+s9+$0x0], $0xffff  }
0xcd: {  	v10 =	vadd.s32 $0x4280, v1;
	s15 =	sor.u32 s31, s5;
	v17 =	vld.idx.msk [tilespmem:v17+s9+$0x0], $0xffff;
	[tilespmem:s11+$0x0] =	vst v16  }
0xce: {  	[tilespmem:s15+$0x0] =	vst v15;
	v15 =	vadd.s32 $0x4280, v0;
	v16 =	vld.idx.msk [tilespmem:v19+s9+$0x0], $0xffff  }
0xcf: {  	s8 =	sadd.s32 $0x10A00, s21;
	[tilespmem:s17+$0x80] =	vst v18;
	v18 =	vadd.s32 $0x2200, v3;
	v11 =	vld.idx.msk [tilespmem:v11+s9+$0x0], $0xffff  }
0xd0: {  	v7 =	vadd.s32 $0x6380, v7;
	s13 =	sor.u32 s20, s8;
	v19 =	vld.idx.msk [tilespmem:v20+s9+$0x0], $0xffff;
	[tilespmem:s16+$0x80] =	vst v13  }
0xd1: {  	s14 =	sadd.s32 $0xC980, s24;
	s11 =	sor.u32 s19, s8;
	[tilespmem:s13+$0x0] =	vst v12;
	v12 =	vadd.s32 $0x2200, v4;
	v13 =	vld.idx.msk [tilespmem:v14+s9+$0x0], $0xffff  }
0xd2: {  	v14 =	vor.u32 $0x180, v5;
	s13 =	sor.u32 s23, s14;
	v10 =	vld.idx.msk [tilespmem:v10+s9+$0x0], $0xffff;
	[tilespmem:s11+$0x0] =	vst v9;
	s11 =	sadd.s32 $0x14B00, s1  }
0xd3: {  	v20 =	vor.u32 $0x180, v6;
	[tilespmem:s13+$0x0] =	vst v17;
	v9 =	vld.idx.msk [tilespmem:v15+s9+$0x0], $0xffff;
	s15 =	sor.u32 s31, s11  }
0xd4: {  	s12 =	sor.u32 s22, s14;
	v17 =	vadd.s32 $0x4300, v1;
	v18 =	vld.idx.msk [tilespmem:v18+s9+$0x0], $0xffff;
	[tilespmem:s15+$0x0] =	vst v11  }
0xd5: {  	[tilespmem:s12+$0x0] =	vst v16;
	v11 =	vadd.s32 $0x4300, v0;
	v63 =	vld.idx.msk [tilespmem:v7+s9+$0x0], $0xffff  }
0xd6: {  	s8 =	sadd.s32 $0x10A80, s21;
	[tilespmem:s17+$0x100] =	vst v19;
	v19 =	vadd.s32 $0x2280, v3;
	v12 =	vld.idx.msk [tilespmem:v12+s9+$0x0], $0xffff  }
0xd7: {  	s14 =	sor.u32 s20, s8;
	v15 =	vld.idx.msk [tilespmem:v14+s9+$0x0], $0xffff;
	[tilespmem:s16+$0x100] =	vst v13  }
0xd8: {  	s13 =	sor.u32 s30, s4;
	s15 =	sor.u32 s19, s8;
	v14 =	vadd.s32 $0x2280, v4;
	[tilespmem:s14+$0x0] =	vst v10;
	s14 =	sadd.s32 $0xCA00, s24;
	v16 =	vld.idx.msk [tilespmem:v20+s9+$0x0], $0xffff  }
0xd9: {  	s12 =	sor.u32 s30, s5;
	s8 =	sadd.s32 $0x14B80, s1;
	v7 =	vld.idx.msk [tilespmem:v17+s9+$0x0], $0xffff;
	[tilespmem:s15+$0x0] =	vst v9;
	s5 =	sor.u32 s23, s14;
	v17 =	vor.u32 $0x200, v5  }
0xda: {  	s11 =	sor.u32 s30, s11;
	s1 =	sor.u32 s30, s8;
	v10 =	vadd.s32 $0x4380, v1;
	s15 =	sor.u32 s31, s8;
	[tilespmem:s5+$0x0] =	vst v18;
	v9 =	vld.idx.msk [tilespmem:v11+s9+$0x0], $0xffff  }
0xdb: {  	s30 =	simm.s32 $0x6;
	s31 =	simm.s32 $0x80;
	s5 =	sor.u32 s22, s14;
	v18 =	vor.u32 $0x200, v6;
	v13 =	vld.idx.msk [tilespmem:v19+s9+$0x0], $0xffff;
	[tilespmem:s15+$0x0] =	vst v63  }
.LBB2_2:
0xdc: {  	v11 =	vld [tilespmem:s31+$0x0];
	[tilespmem:s5+$0x0] =	vst v12;
	s4 =	sadd.s32 $0x10B00, s21;
	v12 =	vadd.s32 $0x4380, v0;
	s14 =	smov.u32 s20;
	s20 =	smov.u32 s23  }
0xdd: {  	s23 =	smov.u32 s26;
	[tilespmem:s17+$0x180] =	vst v15;
	v14 =	vld.idx.msk [tilespmem:v14+s9+$0x0], $0xffff;
	v15 =	vadd.s32 $0x2300, v3;
	s5 =	sor.u32 s19, s4;
	s4 =	sor.u32 s14, s4  }
0xde: {  	s15 =	smov.u32 s21;
	s21 =	smov.u32 s24;
	s24 =	smov.u32 s28;
	v17 =	vld.idx.msk [tilespmem:v17+s9+$0x0], $0xffff;
	[tilespmem:s4+$0x0] =	vst v7;
	v7 =	vadd.s32 $0x6280, v2  }
0xdf: {  	s4 =	sadd.s32 $0xCA80, s21;
	[tilespmem:s16+$0x180] =	vst v16;
	v16 =	vadd.s32 $0x2300, v4;
	v10 =	vld.idx.msk [tilespmem:v10+s9+$0x0], $0xffff  }
0xe0: {  	v19 =	vor.u32 $0x280, v5;
	s26 =	sor.u32 s22, s4;
	s4 =	sor.u32 s20, s4;
	v18 =	vld.idx.msk [tilespmem:v18+s9+$0x0], $0xffff;
	[tilespmem:s5+$0x0] =	vst v9  }
0xe1: {  	[tilespmem:s4+$0x0] =	vst v13;
	v9 =	vld.idx.msk [tilespmem:v12+s9+$0x0], $0xffff;
	v12 =	vadd.s32 $0x6000, v1  }
0xe2: {  	v13 =	vor.u32 $0x280, v6;
	v15 =	vld.idx.msk [tilespmem:v15+s9+$0x0], $0xffff;
	[tilespmem:s13+$0x0] =	vst v8  }
0xe3: {  	s4 =	sadd.s32 $0x10B80, s15;
	v8 =	vadd.s32 $0x6000, v0;
	[tilespmem:s26+$0x0] =	vst v14;
	v7 =	vld.idx.msk [tilespmem:v7+s9+$0x0], $0xffff  }
0xe4: {  	s5 =	sor.u32 s19, s4;
	s4 =	sor.u32 s14, s4;
	[tilespmem:s17+$0x200] =	vst v17;
	v14 =	vld.idx.msk [tilespmem:v16+s9+$0x0], $0xffff;
	v16 =	vadd.s32 $0x2380, v3  }
0xe5: {  	v17 =	vld.idx.msk [tilespmem:v19+s9+$0x0], $0xffff;
	[tilespmem:s4+$0x0] =	vst v10;
	v10 =	vadd.s32 $0x6300, v2  }
0xe6: {  	s4 =	sadd.s32 $0xCB00, s21;
	[tilespmem:s16+$0x200] =	vst v18;
	v18 =	vadd.s32 $0x2380, v4;
	v12 =	vld.idx.msk [tilespmem:v12+s9+$0x0], $0xffff  }
0xe7: {  	v19 =	vor.u32 $0x300, v5;
	s13 =	sor.u32 s22, s4;
	s4 =	sor.u32 s20, s4;
	v13 =	vld.idx.msk [tilespmem:v13+s9+$0x0], $0xffff;
	[tilespmem:s5+$0x0] =	vst v9  }
0xe8: {  	v9 =	vadd.s32 $0x6080, v1;
	[tilespmem:s4+$0x0] =	vst v15;
	v8 =	vld.idx.msk [tilespmem:v8+s9+$0x0], $0xffff  }
0xe9: {  	v15 =	vor.u32 $0x300, v6;
	v16 =	vld.idx.msk [tilespmem:v16+s9+$0x0], $0xffff;
	[tilespmem:s12+$0x0] =	vst v7  }
0xea: {  	s4 =	sadd.s32 $0x14800, s15;
	v7 =	vadd.s32 $0x6080, v0;
	[tilespmem:s13+$0x0] =	vst v14;
	v10 =	vld.idx.msk [tilespmem:v10+s9+$0x0], $0xffff  }
0xeb: {  	s5 =	sor.u32 s19, s4;
	s4 =	sor.u32 s14, s4;
	[tilespmem:s17+$0x280] =	vst v17;
	v14 =	vld.idx.msk [tilespmem:v18+s9+$0x0], $0xffff;
	v17 =	vadd.s32 $0x4000, v3  }
0xec: {  	s0 =	sadd.s32 $0x1, s0;
	v18 =	vld.idx.msk [tilespmem:v19+s9+$0x0], $0xffff;
	[tilespmem:s4+$0x0] =	vst v12;
	v12 =	vadd.s32 $0x6380, v2;
	v2 =	vmovc v0;
	v0 =	vmov v4;
	v4 =	vmov v6  }
0xed: {  	s12 =	sadd.s32 $0xCB80, s21;
	s4 =	sand.u32 $0x3, s0;
	[tilespmem:s16+$0x280] =	vst v13;
	v6 =	vadd.s32 $0x4000, v0;
	v9 =	vld.idx.msk [tilespmem:v9+s9+$0x0], $0xffff  }
0xee: {  	s13 =	sor.u32 s22, s12;
	s12 =	sor.u32 s20, s12;
	s4 =	sshll.u32 s4, $0x5;
	v13 =	vld.idx.msk [tilespmem:v15+s9+$0x0], $0xffff;
	v15 =	vor.u32 $0x380, v5;
	[tilespmem:s5+$0x0] =	vst v8  }
0xef: {  	s4 =	sadd.s32 s4, s10;
	v8 =	vadd.s32 $0x6100, v1;
	[tilespmem:s12+$0x0] =	vst v16;
	v7 =	vld.idx.msk [tilespmem:v7+s9+$0x0], $0xffff  }
0xf0: {  	s12 =	sor.u32 $0x300, s4;
	v16 =	vor.u32 $0x380, v4;
	s5 =	sor.u32 $0x380, s4;
	s16 =	sadd.s32 $0x10, s4;
	v17 =	vld.idx.msk [tilespmem:v17+s9+$0x0], $0xffff;
	[tilespmem:s11+$0x0] =	vst v10  }
0xf1: {  	s4 =	sor.u32 $0x300, s16;
	s11 =	sadd.s32 $0x14880, s15;
	v10 =	vadd.s32 $0x6100, v2;
	[tilespmem:s13+$0x0] =	vst v14;
	v12 =	vld.idx.msk [tilespmem:v12+s9+$0x0], $0xffff  }
0xf2: {  	v14 =	vadd.s32 $0x4080, v3;
	s13 =	sor.u32 s19, s11;
	[tilespmem:s4+$0x8800] =	vst v18;
	v6 =	vld.idx.msk [tilespmem:v6+s9+$0x0], $0xffff;
	s4 =	sor.u32 s14, s11  }
0xf3: {  	v15 =	vld.idx.msk [tilespmem:v15+s9+$0x0], $0xffff;
	[tilespmem:s4+$0x0] =	vst v9  }
0xf4: {  	s29 =	sadd.s32 $0x20, s29;
	s11 =	sadd.s32 $0x10800, s21;
	v9 =	vadd.s32 $0x4080, v0;
	[tilespmem:s12+$0x8800] =	vst v13;
	v8 =	vld.idx.msk [tilespmem:v8+s9+$0x0], $0xffff  }
0xf5: {  	s30 =	sadd.s32 $0x2, s30;
	s4 =	sand.u32 $0x60, s29;
	s12 =	sor.u32 s20, s11;
	v13 =	vld.idx.msk [tilespmem:v16+s9+$0x0], $0xffff;
	v16 =	vadd.s32 $0x2000, v5;
	[tilespmem:s13+$0x0] =	vst v7  }
0xf6: {  	p0 =	slt.u32 s30, $0x7E;
	s26 =	sor.u32 $0x10, s4;
	s13 =	sand.u32 $0x780, s29;
	[tilespmem:s12+$0x0] =	vst v17;
	v7 =	vld.idx.msk [tilespmem:v10+s9+$0x0], $0xffff;
	v10 =	vadd.s32 $0x6180, v1  }
0xf7: {  	s11 =	sor.u32 s22, s11;
	s12 =	sor.u32 s26, s13;
	v17 =	vadd.s32 $0x2000, v4;
	v14 =	vld.idx.msk [tilespmem:v14+s9+$0x0], $0xffff;
	[tilespmem:s1+$0x0] =	vst v12  }
0xf8: {  	v19 =	vadd.s32 $0x6180, v2;
	v12 =	vshll.u32 v11, $0x3;
	s1 =	sor.u32 $0x380, s16;
	v18 =	vld [tilespmem:s12+$0x0];
	[tilespmem:s11+$0x0] =	vst v6;
	s11 =	sadd.s32 $0x14900, s15  }
0xf9: {  	v6 =	vand.u32 $0x7F, v11;
	v11 =	vand.u32 $0xFFFFFC00, v12;
	v12 =	vadd.s32 $0x4100, v3;
	[tilespmem:s1+$0x8800] =	vst v15;
	v9 =	vld.idx.msk [tilespmem:v9+s9+$0x0], $0xffff;
	s1 =	sor.u32 s19, s11;
	s11 =	sor.u32 s14, s11  }
0xfa: {  	v6 =	vor.u32 v6, v11;
	v11 =	vld.idx.msk [tilespmem:v16+s9+$0x0], $0xffff;
	[tilespmem:s11+$0x0] =	vst v8  }
0xfb: {  	v8 =	vadd.s32 $0x4100, v0;
	[tilespmem:s5+$0x8800] =	vst v13;
	s5 =	sadd.s32 $0x10880, s21;
	v10 =	vld.idx.msk [tilespmem:v10+s9+$0x0], $0xffff  }
0xfc: {  	v15 =	vadd.s32 $0x2080, v5;
	v13 =	vld.idx.msk [tilespmem:v17+s9+$0x0], $0xffff;
	s11 =	sor.u32 s22, s5;
	s5 =	sor.u32 s20, s5;
	[tilespmem:s1+$0x0] =	vst v7  }
0xfd: {  	v16 =	vadd.s32 $0x6200, v1;
	v7 =	vshll.u32 v18, $0x3;
	[tilespmem:s5+$0x0] =	vst v14;
	v14 =	vld.idx.msk [tilespmem:v19+s9+$0x0], $0xffff  }
0xfe: {  	s1 =	sadd.s32 $0xC800, s24;
	v17 =	vand.u32 $0x7F, v18;
	v18 =	vadd.s32 $0x2080, v4;
	v7 =	vand.u32 $0xFFFFFC00, v7;
	v12 =	vld.idx.msk [tilespmem:v12+s9+$0x0], $0xffff  }
0xff: {  	s5 =	sor.u32 s25, s1;
	s1 =	sor.u32 s23, s1;
	v19 =	vld.idx.msk [tilespmem:v6+s9+$0x0], $0xffff;
	v7 =	vor.u32 v17, v7;
	[tilespmem:s11+$0x0] =	vst v9;
	s11 =	sadd.s32 $0x14980, s15  }
0x100: {  	v9 =	vadd.s32 $0x4180, v3;
	[tilespmem:s1+$0x0] =	vst v11;
	v8 =	vld.idx.msk [tilespmem:v8+s9+$0x0], $0xffff;
	s1 =	sor.u32 s19, s11;
	s11 =	sor.u32 s14, s11  }
0x101: {  	v11 =	vld.idx.msk [tilespmem:v15+s9+$0x0], $0xffff;
	v15 =	vadd.s32 $0x6200, v2;
	[tilespmem:s11+$0x0] =	vst v10  }
0x102: {  	v10 =	vadd.s32 $0x4180, v0;
	[tilespmem:s5+$0x0] =	vst v13;
	s5 =	sadd.s32 $0x10900, s21;
	v13 =	vld.idx.msk [tilespmem:v16+s9+$0x0], $0xffff  }
0x103: {  	v17 =	vadd.s32 $0x2100, v5;
	v16 =	vld.idx.msk [tilespmem:v18+s9+$0x0], $0xffff;
	s11 =	sor.u32 s22, s5;
	s5 =	sor.u32 s20, s5;
	[tilespmem:s1+$0x0] =	vst v14  }
0x104: {  	v14 =	vld.idx.msk [tilespmem:v7+s9+$0x0], $0xffff;
	[tilespmem:s5+$0x0] =	vst v12;
	v12 =	vadd.s32 $0x6280, v1  }
0x105: {  	s1 =	sadd.s32 $0xC880, s24;
	v18 =	vadd.s32 $0x2100, v4;
	v9 =	vld.idx.msk [tilespmem:v9+s9+$0x0], $0xffff  }
0x106: {  	s10 =	sadd.s32 $0x100, s10;
	v20 =	vor.u32 $0x80, v7;
	s5 =	sor.u32 s23, s1;
	[tilespmem:s11+$0x0] =	vst v8;
	v8 =	vld.idx.msk [tilespmem:v15+s9+$0x0], $0xffff;
	s11 =	sadd.s32 $0x14A00, s15  }
0x107: {  	s28 =	sand.u32 $0x3C00, s10;
	s1 =	sor.u32 s25, s1;
	[tilespmem:s5+$0x0] =	vst v11;
	v10 =	vld.idx.msk [tilespmem:v10+s9+$0x0], $0xffff;
	v11 =	vadd.s32 $0x4200, v3;
	s5 =	sor.u32 s14, s11  }
0x108: {  	s12 =	sadd.s32 $0x8800, s28;
	v15 =	vor.u32 $0x80, v6;
	s13 =	sor.u32 s19, s11;
	v17 =	vld.idx.msk [tilespmem:v17+s9+$0x0], $0xffff;
	[tilespmem:s5+$0x0] =	vst v13  }
0x109: {  	s16 =	sor.u32 s4, s12;
	s17 =	sor.u32 s26, s12;
	v13 =	vadd.s32 $0x4200, v0;
	[tilespmem:s1+$0x0] =	vst v16;
	s1 =	sadd.s32 $0x10980, s21;
	v12 =	vld.idx.msk [tilespmem:v12+s9+$0x0], $0xffff  }
0x10a: {  	v16 =	vadd.s32 $0x2180, v5;
	[tilespmem:s17+$0x0] =	vst v14;
	v14 =	vld.idx.msk [tilespmem:v18+s9+$0x0], $0xffff;
	s5 =	sor.u32 s22, s1;
	s1 =	sor.u32 s20, s1  }
0x10b: {  	v18 =	vld.idx.msk [tilespmem:v20+s9+$0x0], $0xffff;
	[tilespmem:s1+$0x0] =	vst v9;
	v9 =	vadd.s32 $0x6300, v1  }
0x10c: {  	s1 =	sadd.s32 $0xC900, s24;
	[tilespmem:s16+$0x0] =	vst v19;
	v19 =	vadd.s32 $0x2180, v4;
	v11 =	vld.idx.msk [tilespmem:v11+s9+$0x0], $0xffff  }
0x10d: {  	v20 =	vor.u32 $0x100, v7;
	s11 =	sor.u32 s25, s1;
	s1 =	sor.u32 s23, s1;
	v15 =	vld.idx.msk [tilespmem:v15+s9+$0x0], $0xffff;
	[tilespmem:s5+$0x0] =	vst v10;
	s5 =	sadd.s32 $0x14A80, s15  }
0x10e: {  	[tilespmem:s1+$0x0] =	vst v17;
	v10 =	vld.idx.msk [tilespmem:v13+s9+$0x0], $0xffff;
	v13 =	vadd.s32 $0x4280, v3;
	s12 =	sor.u32 s19, s5;
	s1 =	sor.u32 s14, s5  }
0x10f: {  	v17 =	vor.u32 $0x100, v6;
	v16 =	vld.idx.msk [tilespmem:v16+s9+$0x0], $0xffff;
	[tilespmem:s1+$0x0] =	vst v12  }
0x110: {  	s1 =	sadd.s32 $0x10A00, s21;
	v12 =	vadd.s32 $0x4280, v0;
	[tilespmem:s11+$0x0] =	vst v14;
	v9 =	vld.idx.msk [tilespmem:v9+s9+$0x0], $0xffff  }
0x111: {  	s5 =	sor.u32 s22, s1;
	s1 =	sor.u32 s20, s1;
	[tilespmem:s17+$0x80] =	vst v18;
	v14 =	vld.idx.msk [tilespmem:v19+s9+$0x0], $0xffff;
	v18 =	vadd.s32 $0x2200, v5  }
0x112: {  	v19 =	vld.idx.msk [tilespmem:v20+s9+$0x0], $0xffff;
	[tilespmem:s1+$0x0] =	vst v11;
	v11 =	vadd.s32 $0x6380, v1;
	v1 =	vmovc v3;
	v3 =	vmov v5;
	v5 =	vmov v7  }
0x113: {  	s1 =	sadd.s32 $0xC980, s24;
	v7 =	vadd.s32 $0x2200, v4;
	[tilespmem:s16+$0x80] =	vst v15;
	v13 =	vld.idx.msk [tilespmem:v13+s9+$0x0], $0xffff  }
0x114: {  	v15 =	vor.u32 $0x180, v5;
	s8 =	sor.u32 s25, s1;
	s1 =	sor.u32 s23, s1;
	v17 =	vld.idx.msk [tilespmem:v17+s9+$0x0], $0xffff;
	[tilespmem:s5+$0x0] =	vst v10;
	s5 =	sadd.s32 $0x14B00, s15  }
0x115: {  	[tilespmem:s1+$0x0] =	vst v16;
	v10 =	vld.idx.msk [tilespmem:v12+s9+$0x0], $0xffff;
	v16 =	vadd.s32 $0x4300, v1;
	s11 =	sor.u32 s19, s5;
	s1 =	sor.u32 s14, s5  }
0x116: {  	v20 =	vor.u32 $0x180, v6;
	v18 =	vld.idx.msk [tilespmem:v18+s9+$0x0], $0xffff;
	[tilespmem:s1+$0x0] =	vst v9  }
0x117: {  	s1 =	sadd.s32 $0x10A80, s21;
	v9 =	vadd.s32 $0x4300, v0;
	[tilespmem:s8+$0x0] =	vst v14;
	v11 =	vld.idx.msk [tilespmem:v11+s9+$0x0], $0xffff  }
0x118: {  	s8 =	sor.u32 s22, s1;
	s1 =	sor.u32 s20, s1;
	[tilespmem:s17+$0x100] =	vst v19;
	v12 =	vld.idx.msk [tilespmem:v7+s9+$0x0], $0xffff;
	v19 =	vadd.s32 $0x2280, v3  }
.Ltmp0:
0x119: {  	v15 =	vld.idx.msk [tilespmem:v15+s9+$0x0], $0xffff;
	[tilespmem:s1+$0x0] =	vst v13;
	(pc) =	sbr.rel @p0 .LBB2_2-.Ltmp0, $4  }
0x11a: {  	v14 =	vadd.s32 $0x2280, v4;
	s1 =	sadd.s32 $0xCA00, s24;
	[tilespmem:s16+$0x100] =	vst v17;
	v7 =	vld.idx.msk [tilespmem:v16+s9+$0x0], $0xffff  }
0x11b: {  	v17 =	vor.u32 $0x200, v5;
	s5 =	sor.u32 s25, s1;
	s1 =	sor.u32 s23, s1;
	v16 =	vld.idx.msk [tilespmem:v20+s9+$0x0], $0xffff;
	[tilespmem:s8+$0x0] =	vst v10;
	s8 =	sadd.s32 $0x14B80, s15  }
0x11c: {  	v10 =	vadd.s32 $0x4380, v1;
	[tilespmem:s1+$0x0] =	vst v18;
	v9 =	vld.idx.msk [tilespmem:v9+s9+$0x0], $0xffff;
	s1 =	sor.u32 s19, s8;
	s8 =	sor.u32 s14, s8;
	s19 =	smov.u32 s22  }
0x11d: {  	s31 =	sadd.s32 $0x20, s31;
	v18 =	vor.u32 $0x200, v6;
	s22 =	smov.u32 s25;
	s25 =	smov.u32 s4;
	v13 =	vld.idx.msk [tilespmem:v19+s9+$0x0], $0xffff;
	[tilespmem:s8+$0x0] =	vst v11  }
0x11e: {  	_ =	sdelay $0x2  }
0x11f: {  	[tilespmem:s17+$0x180] =	vst v15  }
0x120: {  	v11 =	vld.idx.msk [tilespmem:v17+s9+$0x0], $0xffff;
	[tilespmem:s16+$0x180] =	vst v16  }
0x121: {  	v24 =	vor.u32 $0x280, v5;
	v23 =	vld.idx.msk [tilespmem:v18+s9+$0x0], $0xffff  }
0x122: {  	v25 =	vor.u32 $0x280, v6;
	_ =	sdelay $0x2  }
0x123: {  	[tilespmem:s17+$0x200] =	vst v11  }
0x124: {  	v11 =	vld.idx.msk [tilespmem:v24+s9+$0x0], $0xffff;
	[tilespmem:s16+$0x200] =	vst v23  }
0x125: {  	v26 =	vor.u32 $0x300, v5;
	v15 =	vld.idx.msk [tilespmem:v25+s9+$0x0], $0xffff  }
0x126: {  	v27 =	vor.u32 $0x300, v6;
	_ =	sdelay $0x2  }
0x127: {  	s0 =	sadd.s32 $0x1, s0;
	[tilespmem:s17+$0x280] =	vst v11  }
0x128: {  	s0 =	sand.u32 $0x3, s0;
	v11 =	vld.idx.msk [tilespmem:v26+s9+$0x0], $0xffff;
	[tilespmem:s16+$0x280] =	vst v15  }
0x129: {  	v28 =	vor.u32 $0x380, v5;
	s0 =	sshll.u32 s0, $0x5;
	v15 =	vld.idx.msk [tilespmem:v27+s9+$0x0], $0xffff  }
0x12a: {  	v29 =	vor.u32 $0x380, v6;
	s0 =	sadd.s32 s0, s10  }
0x12b: {  	s4 =	sadd.s32 $0x10, s0  }
0x12c: {  	s8 =	sor.u32 $0x300, s4  }
0x12d: {  	s31 =	sor.u32 $0x300, s0;
	[tilespmem:s8+$0x8800] =	vst v11  }
0x12e: {  	v11 =	vld.idx.msk [tilespmem:v28+s9+$0x0], $0xffff;
	[tilespmem:s31+$0x8800] =	vst v15  }
0x12f: {  	v30 =	vadd.s32 $0x2000, v5;
	v15 =	vld.idx.msk [tilespmem:v29+s9+$0x0], $0xffff  }
0x130: {  	v31 =	vadd.s32 $0x2000, v6;
	_ =	sdelay $0x1  }
0x131: {  	s4 =	sor.u32 $0x380, s4  }
0x132: {  	s0 =	sor.u32 $0x380, s0;
	[tilespmem:s4+$0x8800] =	vst v11  }
0x133: {  	v11 =	vld.idx.msk [tilespmem:v30+s9+$0x0], $0xffff;
	[tilespmem:s0+$0x8800] =	vst v15  }
0x134: {  	v32 =	vadd.s32 $0x2080, v5;
	v15 =	vld.idx.msk [tilespmem:v31+s9+$0x0], $0xffff  }
0x135: {  	v33 =	vadd.s32 $0x2080, v6  }
0x136: {  	s4 =	sadd.s32 $0xC800, s28  }
0x137: {  	s8 =	sor.u32 s26, s4  }
0x138: {  	s0 =	sor.u32 s25, s4;
	[tilespmem:s8+$0x0] =	vst v11  }
0x139: {  	v11 =	vld.idx.msk [tilespmem:v32+s9+$0x0], $0xffff;
	[tilespmem:s0+$0x0] =	vst v15  }
0x13a: {  	v34 =	vadd.s32 $0x2100, v5;
	v15 =	vld.idx.msk [tilespmem:v33+s9+$0x0], $0xffff  }
0x13b: {  	v35 =	vadd.s32 $0x2100, v6  }
0x13c: {  	s10 =	sadd.s32 $0xC880, s28  }
0x13d: {  	s14 =	sor.u32 s26, s10  }
0x13e: {  	s0 =	sor.u32 s25, s10;
	[tilespmem:s14+$0x0] =	vst v11  }
0x13f: {  	v11 =	vld.idx.msk [tilespmem:v34+s9+$0x0], $0xffff;
	[tilespmem:s0+$0x0] =	vst v15  }
0x140: {  	v36 =	vadd.s32 $0x2180, v5;
	v15 =	vld.idx.msk [tilespmem:v35+s9+$0x0], $0xffff  }
0x141: {  	v37 =	vadd.s32 $0x2180, v6  }
0x142: {  	s15 =	sadd.s32 $0xC900, s28  }
0x143: {  	s16 =	sor.u32 s26, s15  }
0x144: {  	s0 =	sor.u32 s25, s15;
	[tilespmem:s16+$0x0] =	vst v11  }
0x145: {  	v11 =	vld.idx.msk [tilespmem:v36+s9+$0x0], $0xffff;
	[tilespmem:s0+$0x0] =	vst v15  }
0x146: {  	v38 =	vadd.s32 $0x2200, v5;
	v15 =	vld.idx.msk [tilespmem:v37+s9+$0x0], $0xffff  }
0x147: {  	v39 =	vadd.s32 $0x2200, v6  }
0x148: {  	s17 =	sadd.s32 $0xC980, s28  }
0x149: {  	s29 =	sor.u32 s26, s17  }
0x14a: {  	s0 =	sor.u32 s25, s17;
	[tilespmem:s29+$0x0] =	vst v11  }
0x14b: {  	v11 =	vld.idx.msk [tilespmem:v38+s9+$0x0], $0xffff;
	[tilespmem:s0+$0x0] =	vst v15  }
0x14c: {  	v40 =	vadd.s32 $0x2280, v5;
	v15 =	vld.idx.msk [tilespmem:v39+s9+$0x0], $0xffff  }
0x14d: {  	v41 =	vadd.s32 $0x2280, v6  }
0x14e: {  	s30 =	sadd.s32 $0xCA00, s28  }
0x14f: {  	[tilespmem:s5+$0x0] =	vst v12;
	v42 =	vadd.s32 $0x2300, v3;
	s31 =	sor.u32 s26, s30  }
0x150: {  	v12 =	vld.idx.msk [tilespmem:v14+s9+$0x0], $0xffff;
	s0 =	sor.u32 s25, s30;
	[tilespmem:s31+$0x0] =	vst v11  }
0x151: {  	v43 =	vadd.s32 $0x2300, v4;
	s5 =	sadd.s32 $0xCA80, s24;
	v16 =	vld.idx.msk [tilespmem:v40+s9+$0x0], $0xffff;
	[tilespmem:s0+$0x0] =	vst v15  }
0x152: {  	v44 =	vadd.s32 $0x2300, v5;
	s8 =	sor.u32 s23, s5;
	v15 =	vld.idx.msk [tilespmem:v41+s9+$0x0], $0xffff  }
0x153: {  	v45 =	vadd.s32 $0x2300, v6;
	[tilespmem:s8+$0x0] =	vst v13  }
0x154: {  	s10 =	sadd.s32 $0xCA80, s28;
	v13 =	vld.idx.msk [tilespmem:v42+s9+$0x0], $0xffff;
	s0 =	sor.u32 s22, s5  }
0x155: {  	v46 =	vadd.s32 $0x2380, v3;
	s14 =	sor.u32 s26, s10;
	[tilespmem:s0+$0x0] =	vst v12  }
0x156: {  	s4 =	sor.u32 s25, s10;
	v11 =	vld.idx.msk [tilespmem:v43+s9+$0x0], $0xffff;
	[tilespmem:s14+$0x0] =	vst v16  }
0x157: {  	v47 =	vadd.s32 $0x2380, v4;
	s15 =	sadd.s32 $0xCB00, s24;
	v16 =	vld.idx.msk [tilespmem:v44+s9+$0x0], $0xffff;
	[tilespmem:s4+$0x0] =	vst v15  }
0x158: {  	v48 =	vadd.s32 $0x2380, v5;
	s16 =	sor.u32 s23, s15;
	v15 =	vld.idx.msk [tilespmem:v45+s9+$0x0], $0xffff  }
0x159: {  	v49 =	vadd.s32 $0x2380, v6;
	[tilespmem:s16+$0x0] =	vst v13  }
0x15a: {  	s17 =	sadd.s32 $0xCB00, s28;
	s0 =	sor.u32 s22, s15;
	v12 =	vld.idx.msk [tilespmem:v46+s9+$0x0], $0xffff  }
0x15b: {  	v50 =	vadd.s32 $0x4000, v3;
	s29 =	sor.u32 s26, s17;
	[tilespmem:s0+$0x0] =	vst v11  }
0x15c: {  	s4 =	sor.u32 s25, s17;
	v11 =	vld.idx.msk [tilespmem:v47+s9+$0x0], $0xffff;
	[tilespmem:s29+$0x0] =	vst v16  }
0x15d: {  	v51 =	vadd.s32 $0x4000, v4;
	s30 =	sadd.s32 $0xCB80, s24;
	v16 =	vld.idx.msk [tilespmem:v48+s9+$0x0], $0xffff;
	[tilespmem:s4+$0x0] =	vst v15  }
0x15e: {  	v52 =	vadd.s32 $0x4000, v5;
	s31 =	sor.u32 s23, s30;
	v15 =	vld.idx.msk [tilespmem:v49+s9+$0x0], $0xffff  }
0x15f: {  	v53 =	vadd.s32 $0x4000, v6;
	[tilespmem:s31+$0x0] =	vst v12  }
0x160: {  	s5 =	sadd.s32 $0xCB80, s28;
	s0 =	sor.u32 s22, s30;
	v12 =	vld.idx.msk [tilespmem:v50+s9+$0x0], $0xffff  }
0x161: {  	v54 =	vadd.s32 $0x4080, v3;
	s8 =	sor.u32 s26, s5;
	[tilespmem:s0+$0x0] =	vst v11  }
0x162: {  	s4 =	sor.u32 s25, s5;
	v11 =	vld.idx.msk [tilespmem:v51+s9+$0x0], $0xffff;
	[tilespmem:s8+$0x0] =	vst v16  }
0x163: {  	v55 =	vadd.s32 $0x4080, v4;
	s10 =	sadd.s32 $0x10800, s24;
	v16 =	vld.idx.msk [tilespmem:v52+s9+$0x0], $0xffff;
	[tilespmem:s4+$0x0] =	vst v15  }
0x164: {  	v56 =	vadd.s32 $0x4080, v5;
	s14 =	sor.u32 s23, s10;
	v15 =	vld.idx.msk [tilespmem:v53+s9+$0x0], $0xffff  }
0x165: {  	v57 =	vadd.s32 $0x4080, v6;
	[tilespmem:s14+$0x0] =	vst v12  }
0x166: {  	s15 =	sadd.s32 $0x10800, s28;
	s0 =	sor.u32 s22, s10;
	v12 =	vld.idx.msk [tilespmem:v54+s9+$0x0], $0xffff  }
0x167: {  	v58 =	vadd.s32 $0x4100, v3;
	s16 =	sor.u32 s26, s15;
	[tilespmem:s0+$0x0] =	vst v11  }
0x168: {  	s17 =	sor.u32 s25, s15;
	v11 =	vld.idx.msk [tilespmem:v55+s9+$0x0], $0xffff;
	[tilespmem:s16+$0x0] =	vst v16  }
0x169: {  	v59 =	vadd.s32 $0x4100, v4;
	s29 =	sadd.s32 $0x10880, s24;
	v16 =	vld.idx.msk [tilespmem:v56+s9+$0x0], $0xffff;
	[tilespmem:s17+$0x0] =	vst v15  }
0x16a: {  	v60 =	vadd.s32 $0x4100, v5;
	s30 =	sor.u32 s23, s29;
	v15 =	vld.idx.msk [tilespmem:v57+s9+$0x0], $0xffff  }
0x16b: {  	v61 =	vadd.s32 $0x4100, v6;
	[tilespmem:s30+$0x0] =	vst v12  }
0x16c: {  	s31 =	sadd.s32 $0x10880, s28;
	s0 =	sor.u32 s22, s29;
	v12 =	vld.idx.msk [tilespmem:v58+s9+$0x0], $0xffff  }
0x16d: {  	v62 =	vadd.s32 $0x4180, v3;
	s5 =	sor.u32 s26, s31;
	[tilespmem:s0+$0x0] =	vst v11  }
0x16e: {  	s4 =	sor.u32 s25, s31;
	v11 =	vld.idx.msk [tilespmem:v59+s9+$0x0], $0xffff;
	[tilespmem:s5+$0x0] =	vst v16  }
0x16f: {  	v63 =	vadd.s32 $0x4180, v4;
	s8 =	sadd.s32 $0x10900, s24;
	v16 =	vld.idx.msk [tilespmem:v60+s9+$0x0], $0xffff;
	[tilespmem:s4+$0x0] =	vst v15  }
0x170: {  	v21 =	vadd.s32 $0x4180, v5;
	s10 =	sor.u32 s23, s8;
	v15 =	vld.idx.msk [tilespmem:v61+s9+$0x0], $0xffff  }
0x171: {  	v22 =	vadd.s32 $0x4180, v6;
	[tilespmem:s10+$0x0] =	vst v12  }
0x172: {  	s14 =	sadd.s32 $0x10900, s28;
	s0 =	sor.u32 s22, s8;
	v12 =	vld.idx.msk [tilespmem:v62+s9+$0x0], $0xffff  }
0x173: {  	v23 =	vadd.s32 $0x4200, v3;
	s15 =	sor.u32 s26, s14;
	[tilespmem:s0+$0x0] =	vst v11  }
0x174: {  	s4 =	sor.u32 s25, s14;
	v11 =	vld.idx.msk [tilespmem:v63+s9+$0x0], $0xffff;
	[tilespmem:s15+$0x0] =	vst v16  }
0x175: {  	v24 =	vadd.s32 $0x4200, v4;
	s16 =	sadd.s32 $0x10980, s24;
	v16 =	vld.idx.msk [tilespmem:v21+s9+$0x0], $0xffff;
	[tilespmem:s4+$0x0] =	vst v15  }
0x176: {  	v25 =	vadd.s32 $0x4200, v5;
	s17 =	sor.u32 s23, s16;
	v15 =	vld.idx.msk [tilespmem:v22+s9+$0x0], $0xffff  }
0x177: {  	v26 =	vadd.s32 $0x4200, v6;
	[tilespmem:s17+$0x0] =	vst v12  }
0x178: {  	s29 =	sadd.s32 $0x10980, s28;
	s0 =	sor.u32 s22, s16;
	v12 =	vld.idx.msk [tilespmem:v23+s9+$0x0], $0xffff  }
0x179: {  	v27 =	vadd.s32 $0x4280, v3;
	s30 =	sor.u32 s26, s29;
	[tilespmem:s0+$0x0] =	vst v11  }
0x17a: {  	s31 =	sadd.s32 $0x10B00, s21;
	s4 =	sor.u32 s25, s29;
	v11 =	vld.idx.msk [tilespmem:v24+s9+$0x0], $0xffff;
	[tilespmem:s30+$0x0] =	vst v16  }
0x17b: {  	v28 =	vadd.s32 $0x4280, v4;
	s8 =	sadd.s32 $0x10A00, s24;
	s5 =	sor.u32 s20, s31;
	v29 =	vld.idx.msk [tilespmem:v25+s9+$0x0], $0xffff;
	[tilespmem:s4+$0x0] =	vst v15  }
0x17c: {  	v31 =	vadd.s32 $0x4280, v5;
	s10 =	sor.u32 s23, s8;
	[tilespmem:s5+$0x0] =	vst v7;
	v30 =	vld.idx.msk [tilespmem:v26+s9+$0x0], $0xffff  }
0x17d: {  	v32 =	vadd.s32 $0x4280, v6;
	[tilespmem:s10+$0x0] =	vst v12;
	s0 =	sor.u32 s19, s31  }
0x17e: {  	v34 =	vadd.s32 $0x6280, v2;
	s14 =	sadd.s32 $0x10A00, s28;
	v13 =	vld.idx.msk [tilespmem:v27+s9+$0x0], $0xffff;
	[tilespmem:s0+$0x0] =	vst v9;
	s4 =	sor.u32 s22, s8  }
0x17f: {  	v35 =	vadd.s32 $0x4300, v3;
	v10 =	vld.idx.msk [tilespmem:v10+s9+$0x0], $0xffff;
	s15 =	sor.u32 s26, s14;
	[tilespmem:s4+$0x0] =	vst v11  }
0x180: {  	v33 =	vadd.s32 $0x4380, v0;
	s0 =	sor.u32 s25, s14;
	v11 =	vld.idx.msk [tilespmem:v28+s9+$0x0], $0xffff;
	[tilespmem:s15+$0x0] =	vst v29  }
0x181: {  	v36 =	vadd.s32 $0x4300, v4;
	s29 =	sadd.s32 $0x10A80, s24;
	v16 =	vld.idx.msk [tilespmem:v31+s9+$0x0], $0xffff;
	[tilespmem:s0+$0x0] =	vst v30  }
0x182: {  	[tilespmem:s13+$0x0] =	vst v8;
	v37 =	vadd.s32 $0x4300, v5;
	s16 =	sadd.s32 $0x10B80, s21;
	s30 =	sor.u32 s23, s29;
	v7 =	vld.idx.msk [tilespmem:v32+s9+$0x0], $0xffff  }
0x183: {  	v39 =	vadd.s32 $0x4300, v6;
	s17 =	sor.u32 s20, s16;
	v12 =	vld.idx.msk [tilespmem:v34+s9+$0x0], $0xffff;
	[tilespmem:s30+$0x0] =	vst v13  }
0x184: {  	v40 =	vadd.s32 $0x6000, v1;
	[tilespmem:s17+$0x0] =	vst v10;
	s5 =	sor.u32 s22, s29;
	s31 =	sadd.s32 $0x10A80, s28;
	v14 =	vld.idx.msk [tilespmem:v35+s9+$0x0], $0xffff  }
0x185: {  	v42 =	vadd.s32 $0x4380, v3;
	v38 =	vld.idx.msk [tilespmem:v33+s9+$0x0], $0xffff;
	s8 =	sor.u32 s26, s31;
	[tilespmem:s5+$0x0] =	vst v11  }
0x186: {  	v41 =	vadd.s32 $0x6000, v0;
	s0 =	sor.u32 s25, s31;
	v11 =	vld.idx.msk [tilespmem:v36+s9+$0x0], $0xffff;
	[tilespmem:s8+$0x0] =	vst v16  }
0x187: {  	s13 =	sadd.s32 $0x10B00, s24;
	v43 =	vadd.s32 $0x4380, v4;
	v8 =	vld.idx.msk [tilespmem:v37+s9+$0x0], $0xffff;
	[tilespmem:s0+$0x0] =	vst v7  }
0x188: {  	v45 =	vadd.s32 $0x4380, v5;
	s14 =	sor.u32 s23, s13;
	[tilespmem:s12+$0x0] =	vst v12;
	v44 =	vld.idx.msk [tilespmem:v39+s9+$0x0], $0xffff  }
0x189: {  	v47 =	vadd.s32 $0x4380, v6;
	s10 =	sor.u32 s19, s16;
	v46 =	vld.idx.msk [tilespmem:v40+s9+$0x0], $0xffff;
	[tilespmem:s14+$0x0] =	vst v14  }
0x18a: {  	v48 =	vadd.s32 $0x6300, v2;
	[tilespmem:s10+$0x0] =	vst v38;
	s15 =	sadd.s32 $0x10B00, s28;
	v15 =	vld.idx.msk [tilespmem:v42+s9+$0x0], $0xffff;
	s0 =	sor.u32 s22, s13  }
0x18b: {  	v49 =	vadd.s32 $0x6080, v1;
	v13 =	vld.idx.msk [tilespmem:v41+s9+$0x0], $0xffff;
	s16 =	sor.u32 s26, s15;
	[tilespmem:s0+$0x0] =	vst v11  }
0x18c: {  	v50 =	vadd.s32 $0x6000, v3;
	s17 =	sadd.s32 $0x14800, s21;
	s4 =	sor.u32 s25, s15;
	v7 =	vld.idx.msk [tilespmem:v43+s9+$0x0], $0xffff;
	[tilespmem:s16+$0x0] =	vst v8  }
0x18d: {  	v51 =	vadd.s32 $0x6000, v4;
	s29 =	sor.u32 s20, s17;
	s30 =	sadd.s32 $0x10B80, s24;
	v10 =	vld.idx.msk [tilespmem:v45+s9+$0x0], $0xffff;
	[tilespmem:s4+$0x0] =	vst v44  }
0x18e: {  	v53 =	vadd.s32 $0x6000, v5;
	[tilespmem:s29+$0x0] =	vst v46;
	s31 =	sor.u32 s23, s30;
	v52 =	vld.idx.msk [tilespmem:v47+s9+$0x0], $0xffff  }
0x18f: {  	v55 =	vadd.s32 $0x6000, v6;
	v54 =	vld.idx.msk [tilespmem:v48+s9+$0x0], $0xffff;
	[tilespmem:s31+$0x0] =	vst v15;
	s0 =	sor.u32 s19, s17  }
0x190: {  	v57 =	vadd.s32 $0x6380, v2;
	v14 =	vld.idx.msk [tilespmem:v49+s9+$0x0], $0xffff;
	s5 =	sadd.s32 $0x10B80, s28;
	[tilespmem:s0+$0x0] =	vst v13;
	s4 =	sor.u32 s22, s30  }
0x191: {  	v56 =	vadd.s32 $0x6080, v0;
	s8 =	sor.u32 s26, s5;
	v8 =	vld.idx.msk [tilespmem:v50+s9+$0x0], $0xffff;
	[tilespmem:s4+$0x0] =	vst v7  }
0x192: {  	v58 =	vadd.s32 $0x6080, v3;
	s0 =	sor.u32 s25, s5;
	v7 =	vld.idx.msk [tilespmem:v51+s9+$0x0], $0xffff;
	[tilespmem:s8+$0x0] =	vst v10  }
0x193: {  	v59 =	vadd.s32 $0x6080, v4;
	s10 =	sadd.s32 $0x14880, s21;
	v12 =	vld.idx.msk [tilespmem:v53+s9+$0x0], $0xffff;
	[tilespmem:s0+$0x0] =	vst v52  }
0x194: {  	v60 =	vadd.s32 $0x6080, v5;
	s12 =	sadd.s32 $0x14800, s24;
	[tilespmem:s11+$0x0] =	vst v54;
	s11 =	sor.u32 s20, s10;
	v11 =	vld.idx.msk [tilespmem:v55+s9+$0x0], $0xffff  }
0x195: {  	v62 =	vadd.s32 $0x6080, v6;
	v2 =	vld.idx.msk [tilespmem:v57+s9+$0x0], $0xffff;
	[tilespmem:s11+$0x0] =	vst v14;
	s13 =	sor.u32 s23, s12  }
0x196: {  	v63 =	vadd.s32 $0x6100, v1;
	s14 =	sadd.s32 $0x14800, s28;
	s5 =	sor.u32 s22, s12;
	v61 =	vld.idx.msk [tilespmem:v56+s9+$0x0], $0xffff;
	[tilespmem:s13+$0x0] =	vst v8  }
0x197: {  	v20 =	vadd.s32 $0x6100, v0;
	s15 =	sor.u32 s26, s14;
	v9 =	vld.idx.msk [tilespmem:v58+s9+$0x0], $0xffff;
	[tilespmem:s5+$0x0] =	vst v7  }
0x198: {  	v21 =	vadd.s32 $0x6100, v3;
	s0 =	sor.u32 s25, s14;
	v7 =	vld.idx.msk [tilespmem:v59+s9+$0x0], $0xffff;
	[tilespmem:s15+$0x0] =	vst v12  }
0x199: {  	v22 =	vadd.s32 $0x6100, v4;
	v12 =	vld.idx.msk [tilespmem:v60+s9+$0x0], $0xffff;
	[tilespmem:s0+$0x0] =	vst v11  }
0x19a: {  	v24 =	vadd.s32 $0x6100, v5;
	[tilespmem:s1+$0x0] =	vst v2;
	s17 =	sadd.s32 $0x14880, s24;
	s16 =	sor.u32 s19, s10;
	v23 =	vld.idx.msk [tilespmem:v62+s9+$0x0], $0xffff  }
0x19b: {  	v26 =	vadd.s32 $0x6100, v6;
	v25 =	vld.idx.msk [tilespmem:v63+s9+$0x0], $0xffff;
	s29 =	sor.u32 s23, s17;
	[tilespmem:s16+$0x0] =	vst v61  }
0x19c: {  	v27 =	vadd.s32 $0x6180, v1;
	s30 =	sadd.s32 $0x14880, s28;
	v8 =	vld.idx.msk [tilespmem:v20+s9+$0x0], $0xffff;
	[tilespmem:s29+$0x0] =	vst v9;
	s0 =	sor.u32 s22, s17  }
0x19d: {  	v28 =	vadd.s32 $0x6180, v0;
	s31 =	sor.u32 s26, s30;
	v10 =	vld.idx.msk [tilespmem:v21+s9+$0x0], $0xffff;
	[tilespmem:s0+$0x0] =	vst v7  }
0x19e: {  	v29 =	vadd.s32 $0x6180, v3;
	s4 =	sadd.s32 $0x14900, s21;
	s1 =	sor.u32 s25, s30;
	v7 =	vld.idx.msk [tilespmem:v22+s9+$0x0], $0xffff;
	[tilespmem:s31+$0x0] =	vst v12  }
0x19f: {  	v30 =	vadd.s32 $0x6180, v4;
	s5 =	sor.u32 s20, s4;
	v31 =	vld.idx.msk [tilespmem:v24+s9+$0x0], $0xffff;
	[tilespmem:s1+$0x0] =	vst v23  }
0x1a0: {  	v32 =	vadd.s32 $0x6180, v5;
	s8 =	sadd.s32 $0x14900, s24;
	[tilespmem:s5+$0x0] =	vst v25;
	s0 =	sor.u32 s19, s4;
	v2 =	vld.idx.msk [tilespmem:v26+s9+$0x0], $0xffff  }
0x1a1: {  	v33 =	vadd.s32 $0x6180, v6;
	s10 =	sor.u32 s23, s8;
	v15 =	vld.idx.msk [tilespmem:v27+s9+$0x0], $0xffff;
	[tilespmem:s0+$0x0] =	vst v8  }
0x1a2: {  	v34 =	vadd.s32 $0x6200, v1;
	s11 =	sadd.s32 $0x14900, s28;
	v9 =	vld.idx.msk [tilespmem:v28+s9+$0x0], $0xffff;
	[tilespmem:s10+$0x0] =	vst v10;
	s1 =	sor.u32 s22, s8  }
0x1a3: {  	v35 =	vadd.s32 $0x6200, v0;
	s12 =	sor.u32 s26, s11;
	v11 =	vld.idx.msk [tilespmem:v29+s9+$0x0], $0xffff;
	[tilespmem:s1+$0x0] =	vst v7  }
0x1a4: {  	v36 =	vadd.s32 $0x6200, v3;
	s13 =	sadd.s32 $0x14980, s21;
	s0 =	sor.u32 s25, s11;
	v7 =	vld.idx.msk [tilespmem:v30+s9+$0x0], $0xffff;
	[tilespmem:s12+$0x0] =	vst v31  }
0x1a5: {  	v37 =	vadd.s32 $0x6200, v4;
	s14 =	sor.u32 s20, s13;
	v13 =	vld.idx.msk [tilespmem:v32+s9+$0x0], $0xffff;
	[tilespmem:s0+$0x0] =	vst v2  }
0x1a6: {  	v38 =	vadd.s32 $0x6200, v5;
	s15 =	sadd.s32 $0x14980, s24;
	[tilespmem:s14+$0x0] =	vst v15;
	s1 =	sor.u32 s19, s13;
	v8 =	vld.idx.msk [tilespmem:v33+s9+$0x0], $0xffff  }
0x1a7: {  	v39 =	vadd.s32 $0x6200, v6;
	s16 =	sor.u32 s23, s15;
	v15 =	vld.idx.msk [tilespmem:v34+s9+$0x0], $0xffff;
	[tilespmem:s1+$0x0] =	vst v9  }
0x1a8: {  	v40 =	vadd.s32 $0x6280, v1;
	s17 =	sadd.s32 $0x14980, s28;
	v10 =	vld.idx.msk [tilespmem:v35+s9+$0x0], $0xffff;
	[tilespmem:s16+$0x0] =	vst v11;
	s0 =	sor.u32 s22, s15  }
0x1a9: {  	v41 =	vadd.s32 $0x6280, v0;
	s29 =	sor.u32 s26, s17;
	v12 =	vld.idx.msk [tilespmem:v36+s9+$0x0], $0xffff;
	[tilespmem:s0+$0x0] =	vst v7  }
0x1aa: {  	v42 =	vadd.s32 $0x6280, v3;
	s30 =	sadd.s32 $0x14A00, s21;
	s1 =	sor.u32 s25, s17;
	v2 =	vld.idx.msk [tilespmem:v37+s9+$0x0], $0xffff;
	[tilespmem:s29+$0x0] =	vst v13  }
0x1ab: {  	v43 =	vadd.s32 $0x6280, v4;
	s31 =	sor.u32 s20, s30;
	v13 =	vld.idx.msk [tilespmem:v38+s9+$0x0], $0xffff;
	[tilespmem:s1+$0x0] =	vst v8  }
0x1ac: {  	v44 =	vadd.s32 $0x6280, v5;
	s4 =	sadd.s32 $0x14A00, s24;
	[tilespmem:s31+$0x0] =	vst v15;
	s0 =	sor.u32 s19, s30;
	v9 =	vld.idx.msk [tilespmem:v39+s9+$0x0], $0xffff  }
0x1ad: {  	v45 =	vadd.s32 $0x6280, v6;
	s5 =	sor.u32 s23, s4;
	v15 =	vld.idx.msk [tilespmem:v40+s9+$0x0], $0xffff;
	[tilespmem:s0+$0x0] =	vst v10  }
0x1ae: {  	v46 =	vadd.s32 $0x6300, v1;
	s8 =	sadd.s32 $0x14A00, s28;
	v11 =	vld.idx.msk [tilespmem:v41+s9+$0x0], $0xffff;
	[tilespmem:s5+$0x0] =	vst v12;
	s1 =	sor.u32 s22, s4  }
0x1af: {  	v47 =	vadd.s32 $0x6300, v0;
	s10 =	sor.u32 s26, s8;
	v7 =	vld.idx.msk [tilespmem:v42+s9+$0x0], $0xffff;
	[tilespmem:s1+$0x0] =	vst v2  }
0x1b0: {  	v48 =	vadd.s32 $0x6300, v3;
	s11 =	sadd.s32 $0x14A80, s21;
	s0 =	sor.u32 s25, s8;
	v8 =	vld.idx.msk [tilespmem:v43+s9+$0x0], $0xffff;
	[tilespmem:s10+$0x0] =	vst v13  }
0x1b1: {  	v49 =	vadd.s32 $0x6300, v4;
	s12 =	sor.u32 s20, s11;
	v13 =	vld.idx.msk [tilespmem:v44+s9+$0x0], $0xffff;
	[tilespmem:s0+$0x0] =	vst v9  }
0x1b2: {  	v50 =	vadd.s32 $0x6300, v5;
	s13 =	sadd.s32 $0x14A80, s24;
	[tilespmem:s12+$0x0] =	vst v15;
	s1 =	sor.u32 s19, s11;
	v10 =	vld.idx.msk [tilespmem:v45+s9+$0x0], $0xffff  }
0x1b3: {  	v51 =	vadd.s32 $0x6300, v6;
	s14 =	sor.u32 s23, s13;
	v15 =	vld.idx.msk [tilespmem:v46+s9+$0x0], $0xffff;
	[tilespmem:s1+$0x0] =	vst v11  }
0x1b4: {  	v52 =	vadd.s32 $0x6380, v1;
	s15 =	sadd.s32 $0x14A80, s28;
	v12 =	vld.idx.msk [tilespmem:v47+s9+$0x0], $0xffff;
	[tilespmem:s14+$0x0] =	vst v7;
	s0 =	sor.u32 s22, s13  }
0x1b5: {  	v53 =	vadd.s32 $0x6380, v0;
	s16 =	sor.u32 s26, s15;
	v2 =	vld.idx.msk [tilespmem:v48+s9+$0x0], $0xffff;
	[tilespmem:s0+$0x0] =	vst v8  }
0x1b6: {  	v54 =	vadd.s32 $0x6380, v3;
	s17 =	sadd.s32 $0x14B00, s21;
	s1 =	sor.u32 s25, s15;
	v55 =	vld.idx.msk [tilespmem:v49+s9+$0x0], $0xffff;
	[tilespmem:s16+$0x0] =	vst v13  }
0x1b7: {  	v56 =	vadd.s32 $0x6380, v4;
	s29 =	sor.u32 s20, s17;
	v57 =	vld.idx.msk [tilespmem:v50+s9+$0x0], $0xffff;
	[tilespmem:s1+$0x0] =	vst v10  }
0x1b8: {  	v58 =	vadd.s32 $0x6380, v5;
	s30 =	sadd.s32 $0x14B00, s24;
	[tilespmem:s29+$0x0] =	vst v15;
	s0 =	sor.u32 s19, s17;
	v59 =	vld.idx.msk [tilespmem:v51+s9+$0x0], $0xffff  }
0x1b9: {  	v60 =	vadd.s32 $0x6380, v6;
	s31 =	sor.u32 s23, s30;
	v1 =	vld.idx.msk [tilespmem:v52+s9+$0x0], $0xffff;
	[tilespmem:s0+$0x0] =	vst v12  }
0x1ba: {  	s4 =	sadd.s32 $0x14B00, s28;
	v0 =	vld.idx.msk [tilespmem:v53+s9+$0x0], $0xffff;
	[tilespmem:s31+$0x0] =	vst v2;
	s1 =	sor.u32 s22, s30  }
0x1bb: {  	s5 =	sor.u32 s26, s4;
	v2 =	vld.idx.msk [tilespmem:v54+s9+$0x0], $0xffff;
	[tilespmem:s1+$0x0] =	vst v55  }
0x1bc: {  	s8 =	sadd.s32 $0x14B80, s21;
	s0 =	sor.u32 s25, s4;
	v61 =	vld.idx.msk [tilespmem:v56+s9+$0x0], $0xffff;
	[tilespmem:s5+$0x0] =	vst v57  }
0x1bd: {  	s10 =	sor.u32 s20, s8;
	v62 =	vld.idx.msk [tilespmem:v58+s9+$0x0], $0xffff;
	[tilespmem:s0+$0x0] =	vst v59  }
0x1be: {  	s11 =	sadd.s32 $0x14B80, s24;
	[tilespmem:s10+$0x0] =	vst v1;
	s1 =	sor.u32 s19, s8;
	v63 =	vld.idx.msk [tilespmem:v60+s9+$0x0], $0xffff  }
0x1bf: {  	s12 =	sor.u32 s23, s11;
	[tilespmem:s1+$0x0] =	vst v0  }
0x1c0: {  	s13 =	sadd.s32 $0x14B80, s28;
	[tilespmem:s12+$0x0] =	vst v2;
	s0 =	sor.u32 s22, s11  }
0x1c1: {  	s14 =	sor.u32 s26, s13;
	[tilespmem:s0+$0x0] =	vst v61  }
0x1c2: {  	s1 =	sor.u32 s25, s13;
	[tilespmem:s14+$0x0] =	vst v62  }
0x1c3: {  	s15 =	simm.s32 $0x8800;
	[tilespmem:s1+$0x0] =	vst v63  }
0x1c4: {  	[hbm4b:s6+s2] =	stream.linear.scatter [tilespmem:s15], [sflag:$0x1], $0x2000, $0x38;
	[tilespmem:$0x18800] =	vst v63  }
0x1c5: {  	s17 =	simm.s32 $0xC800;
	s16 =	sadd.s32 $0x400, s6  }
0x1c6: {  	[hbm4b:s16+s2] =	stream.linear.scatter [tilespmem:s17], [sflag:$0x1], $0x2000, $0x38;
	[tilespmem:$0x18800] =	vst v63  }
0x1c7: {  	s20 =	simm.s32 $0x10800;
	s19 =	sadd.s32 $0x800, s6  }
0x1c8: {  	[hbm4b:s19+s2] =	stream.linear.scatter [tilespmem:s20], [sflag:$0x1], $0x2000, $0x38;
	[tilespmem:$0x18800] =	vst v63  }
0x1c9: {  	s21 =	sadd.s32 $0xC00, s6;
	s22 =	simm.s32 $0x14800  }
0x1ca: {  	[hbm4b:s21+s2] =	stream.linear.scatter [tilespmem:s22], [sflag:$0x1], $0x2000, $0x38;
	[tilespmem:$0x18800] =	vst v63  }
0x1cb: {  	_ =	swait.ge [sflag:s3], $0x8000  }
0x1cc: {  	[sflag:s3] =	ssyncset.done $0x0  }
0x1cd: {  	s23 =	simm.s32 $0xA800;
	[sflag:s3] =	ssyncadd.s32 $0xFFFF8000  }
0x1ce: {  	[hbm4b:s7+s2] =	stream.linear.scatter [tilespmem:s23], [sflag:$0x1], $0x2000, $0x38;
	[tilespmem:$0x18800] =	vst v63  }
0x1cf: {  	s24 =	sadd.s32 $0x400, s7;
	s25 =	simm.s32 $0xE800  }
0x1d0: {  	[hbm4b:s24+s2] =	stream.linear.scatter [tilespmem:s25], [sflag:$0x1], $0x2000, $0x38;
	[tilespmem:$0x18800] =	vst v63  }
0x1d1: {  	s28 =	simm.s32 $0x12800;
	s26 =	sadd.s32 $0x800, s7  }
0x1d2: {  	[hbm4b:s26+s2] =	stream.linear.scatter [tilespmem:s28], [sflag:$0x1], $0x2000, $0x38;
	[tilespmem:$0x18800] =	vst v63  }
0x1d3: {  	s29 =	sadd.s32 $0xC00, s7;
	s30 =	simm.s32 $0x16800  }
0x1d4: {  	[hbm4b:s29+s2] =	stream.linear.scatter [tilespmem:s30], [sflag:$0x1], $0x2000, $0x38;
	[tilespmem:$0x18800] =	vst v63  }
0x1d5: {  	_ =	swait.ge [sflag:s3], $0x8000  }
0x1d6: {  	s18 =	sadd.s32 $0x1, s18;
	s31 =	rddreg [dreg:$0x6]  }
0x1d7: {  	p0 =	sne.s32 s18, s31  }
.Ltmp1:
0x1d8: {  	_ = 	snop;
	(pc) =	sbr.rel @p0 .LBB2_1-.Ltmp1, $3  }
0x1d9: {  	_ =	sdelay $0x1  }
0x1da: {  	[sflag:s3] =	ssyncset.done $0x0  }
0x1db: {  	[sflag:s3] =	ssyncadd.s32 $0xFFFF8000  }
0x1dc: {  	_ =	sfence.sel $0x180000  }
0x1dd: {  	[bflag:$0x0] =	sbarrier.arrive $0xFFFF  }
0x1de: {  	_ =	strace $0x90000047  }
0x1df: {  	s0 =	stileid.u32;
	[bflag:$0x2] =	sbarrier.arrive $0xFFFF  }
0x1e0: {  	p0 =	sne.s32 s0, $0x0;
	s0 =	rddreg [dreg:$0x3]  }
0x1e1: {  	s0 =	sadd.s32 @!p0 $0x100000, s0  }
0x1e2: {  	[sflag:s0] =	ssyncadd.tile.s32 @!p0 $0x1;
	_ =	shalt  }
.Lfunc_end2:
_tile_overlayer_lowered:
.L_overlay_start_2:
0x1e3: {  	(tag) =	ssettag $0x2  }
0x1e4: {  	s0 =	rddreg [dreg:$0x0];
	s2 =	stileid.u32  }
0x1e5: {  	s1 =	rddreg [dreg:$0x1];
	p0 =	sne.s32 s2, $0x0  }
0x1e6: {  	s3 =	rddreg [dreg:$0x2];
	[bflag:$0x3] =	sbarrier.arrive $0xFFFF;
	s2 =	simm.s32 @!p0 $0x1C01  }
0x1e7: {  	[timem:s3], [sflag:s2] =	dma.local @!p0 [hbm:s0], s1  }
0x1e8: {  	s0 =	simm.s32 @!p0 $0x1  }
0x1e9: {  	_ =	swait.ge @!p0 [sflag:s0], s1  }
0x1ea: {  	s1 =	ssub.s32 @!p0 $0x0, s1;
	[sflag:s0] =	ssyncset.done @!p0 $0x0  }
0x1eb: {  	[sflag:s0] =	ssyncadd.s32 @!p0 s1  }
0x1ec: {  	[bflag:$0x3] =	sbarrier.arrive $0xFFFF  }
0x1ed: {  	_ =	shalt  }

</sc_bundles>
